<compile_context>
chip_gen: v7x
topology: tpu7x:2x2x1
jax: 0.10.2.dev20260603
libtpu: 0.0.44.dev20260713+nightly
codegen_flags: <defaults>
</compile_context>

<pallas_src>
import functools

import jax
import jax.numpy as jnp
from jax import lax
from jax.experimental import pallas as pl
from jax.experimental.pallas import tpu as pltpu
from jax.experimental.pallas import tpu_sc as plsc

KS = 7
PAD = KS // 2
H = 384
W = 384
KK = KS * KS
TOP_NUM = (H * W * KK) // 10
NB = 2048
BINV = 32.0
NSAMP = 4
NBLK = 8
BROWS = H // NBLK
PH = H + 2 * PAD
PW = 392
CHUNKS = W // 16


def _sc_hist_body(pred_hbm, label_hbm, out_hbm, pv, lv, cnt_v, sum_v):
    cid = lax.axis_index("c")
    sid = lax.axis_index("s")
    wid = cid * 16 + sid
    samp = cid * 2 + sid // 8
    block = sid % 8
    row0 = BROWS * block

    pltpu.sync_copy(pred_hbm.at[samp, pl.ds(row0, BROWS + 2 * PAD)], pv)
    pltpu.sync_copy(label_hbm.at[samp, pl.ds(row0, BROWS + 2 * PAD)], lv)

    zeros16 = jnp.zeros((16,), jnp.float32)

    def zinit(i, carry):
        cnt_v[pl.ds(i * 16, 16)] = zeros16
        sum_v[pl.ds(i * 16, 16)] = zeros16
        return carry

    lax.fori_loop(0, NB // 16, zinit, 0)

    ones = jnp.ones((16,), jnp.float32)
    fzero = jnp.float32(0.0)

    offs = [(di, dj) for di in range(PAD + 1, KS) for dj in range(KS)]
    offs += [(PAD, dj) for dj in range(PAD + 1, KS)]
    GRP = 12
    twos = jnp.full((16,), 2.0, jnp.float32)
    lane = lax.iota(jnp.int32, 16)

    vmax = jnp.float32((NB - 1) / BINV)

    def chunk_it(ci, carry):
        c0 = ci * 16
        colv = lane + c0
        mcol = {dj: ((colv + (dj - PAD)) >= 0) & ((colv + (dj - PAD)) < W)
                for dj in range(KS)}
        cin = (KS - jnp.maximum(PAD - colv, 0)
               - jnp.maximum(colv - (W - 1 - PAD), 0))

        def row_it(y, carry2):
            g = BROWS * block + y
            pc = pv[y + PAD, pl.ds(c0 + PAD, 16)]
            lc = lv[y + PAD, pl.ds(c0 + PAD, 16)]
            mrow = {di: (g + (di - PAD)) < H for di in range(PAD + 1, KS)}

            for g0 in range(0, len(offs), GRP):
                staged = []
                for di, dj in offs[g0:g0 + GRP]:
                    pn = pv[y + di, pl.ds(c0 + dj, 16)]
                    ln = lv[y + di, pl.ds(c0 + dj, 16)]
                    v = jnp.where(lc == ln, jnp.abs(pc - pn), fzero)
                    b = (jnp.minimum(v, vmax)
                         * jnp.float32(BINV)).astype(jnp.int32)
                    m = (v > fzero) & mcol[dj]
                    if di > PAD:
                        m = m & mrow[di]
                    staged.append((v + v, b, m))
                for v2, b, m in staged:
                    plsc.addupdate_scatter(cnt_v, [b], twos, mask=m)
                    plsc.addupdate_scatter(sum_v, [b], v2, mask=m)

            vpad = jnp.where(lc == fzero, jnp.abs(pc), fzero)
            bpad = (jnp.minimum(vpad, vmax)
                    * jnp.float32(BINV)).astype(jnp.int32)
            rin = (KS - jnp.maximum(PAD - g, 0)
                   - jnp.maximum(g - (H - 1 - PAD), 0))
            nout = (KK - rin * cin).astype(jnp.float32)
            mpad = (vpad > fzero) & (nout > fzero)
            plsc.addupdate_scatter(cnt_v, [bpad], nout, mask=mpad)
            plsc.addupdate_scatter(sum_v, [bpad], nout * vpad, mask=mpad)
            return carry2

        lax.fori_loop(0, BROWS, row_it, 0)
        return carry

    lax.fori_loop(0, CHUNKS, chunk_it, 0)

    pltpu.sync_copy(cnt_v, out_hbm.at[wid, 0])
    pltpu.sync_copy(sum_v, out_hbm.at[wid, 1])


_sc_hist = functools.partial(
    pl.kernel,
    mesh=plsc.VectorSubcoreMesh(core_axis_name="c", subcore_axis_name="s"),
    compiler_params=pltpu.CompilerParams(
        use_tc_tiling_on_sc=False, needs_layout_passes=False),
    out_type=jax.ShapeDtypeStruct((32, 2, NB), jnp.float32),
    scratch_types=[
        pltpu.VMEM((BROWS + 2 * PAD, PW), jnp.float32),
        pltpu.VMEM((BROWS + 2 * PAD, PW), jnp.float32),
        pltpu.VMEM((NB,), jnp.float32),
        pltpu.VMEM((NB,), jnp.float32),
    ],
)(_sc_hist_body)


@jax.jit
def kernel(pred, label):
    pp = jnp.pad(pred[:, 0], ((0, 0), (PAD, PAD), (PAD, PW - W - PAD)))
    lp = jnp.pad(label[:, 0], ((0, 0), (PAD, PAD), (PAD, PW - W - PAD)))
    hists = _sc_hist(pp, lp)
    hist = hists.reshape(2, 2, NBLK, 2, NB).sum(axis=2).reshape(NSAMP, 2, NB)
    cnt = hist[:, 0]
    vsum = hist[:, 1]
    kf = jnp.float32(TOP_NUM)
    c_incl = jnp.cumsum(cnt[:, ::-1], axis=1)[:, ::-1]
    s_incl = jnp.cumsum(vsum[:, ::-1], axis=1)[:, ::-1]
    c_excl = c_incl - cnt
    s_excl = s_incl - vsum
    bidx = jnp.arange(NB)[None, :]
    bstar = jnp.max(jnp.where(c_incl >= kf, bidx, 0), axis=1)
    pick = jax.vmap(lambda a, i: a[i])
    c_above = pick(c_excl, bstar)
    s_above = pick(s_excl, bstar)
    c_b = pick(cnt, bstar)
    s_b = pick(vsum, bstar)
    frac = jnp.where(c_b > 0, jnp.minimum((kf - c_above) / c_b, 1.0), 0.0)
    topk = s_above + frac * s_b
    return jnp.sum(topk) / jnp.float32(NSAMP * TOP_NUM)

# --- scband reference (transcript-rebuilt; emitter-appended) ---
"""Pipeline reference for scband-sce-71408126263756 (READ-ONLY COPY).

The authoritative reference and input builder live on the scoring server;
editing this copy changes nothing except your own understanding.
"""

import jax, jax.numpy as jnp
import numpy as np

K = 7
PAD = K // 2

def _unfold(x, k, pad):
    # mimics nn.Unfold(kernel_size=k, padding=pad, dilation=1) reshaped to (n, c, k*k, h, w)
    n, c, h, w = x.shape
    xp = jnp.pad(x, ((0, 0), (0, 0), (pad, pad), (pad, pad)))
    patches = [xp[:, :, i:i + h, j:j + w] for i in range(k) for j in range(k)]
    return jnp.stack(patches, axis=2)

def setup_inputs(seed: int = 0):
    key = jax.random.key(seed)
    k1, k2 = jax.random.split(key)
    pred = jax.random.normal(k1, (4, 1, 384, 384), dtype=jnp.float32)
    label = jax.random.randint(k2, (4, 1, 384, 384), 0, 21).astype(jnp.float32)
    return {"pred": pred, "label": label}

def reference(pred, label):
    n, c, h, w = pred.shape
    pn = _unfold(pred, K, PAD)[:, 0]   # (n, k*k, h, w) since c == 1
    ln = _unfold(label, K, PAD)[:, 0]
    # transpose(2,5) + squeeze in torch -> (n, h, w, k*k)
    pred_neighbor = jnp.transpose(pn, (0, 2, 3, 1))
    label_neighbor = jnp.transpose(ln, (0, 2, 3, 1))
    pred_e = pred[:, 0][..., None]
    label_e = label[:, 0][..., None]
    same_index = (label_e == label_neighbor).astype(jnp.float32)
    loss_neighbor = jnp.abs(pred_e - pred_neighbor)
    loss1 = loss_neighbor * same_index
    kk = K * K
    top_num = (h * w * kk) // 10
    vals, _ = jax.lax.top_k(loss1.reshape(n, -1), top_num)
    return jnp.mean(vals)

if __name__ == "__main__":
    import jax
    _d = setup_inputs()
    print(jax.jit(kernel)(*tuple(_d.values())))

</pallas_src>

<mosaic_0001>
#map = affine_map<(d0, d1) -> (0, 0, 0)>
module attributes {stable_mosaic.version = 14 : i64} {
  func.func @_sc_hist_body(%arg0: i32, %arg1: i32, %arg2: memref<4x390x392xf32, #tpu.memory_space<hbm>>, %arg3: memref<4x390x392xf32, #tpu.memory_space<hbm>>, %arg4: memref<32x2x2048xf32, #tpu.memory_space<hbm>>, %arg5: memref<54x392xf32, #tpu.memory_space<vmem>>, %arg6: memref<54x392xf32, #tpu.memory_space<vmem>>, %arg7: memref<2048xf32, #tpu.memory_space<vmem>>, %arg8: memref<2048xf32, #tpu.memory_space<vmem>>) attributes {dimension_semantics = [#tpu.dimension_semantics<core_parallel>, #tpu.dimension_semantics<subcore_parallel>], iteration_bounds = array<i64: 2, 16>, scalar_prefetch = 0 : i64, scratch_operands = 4 : i64, tpu.core_type = #tpu.core_type<sc_vector_subcore>, window_params = [{transform_indices = #map}, {transform_indices = #map}, {transform_indices = #map}]} {
    %mul3A = arith.constant 16 : i32
    %mul3A_0 = arith.muli %arg0, %mul3A : i32
    %add3A = arith.addi %mul3A_0, %arg1 : i32
    %mul3A_1 = arith.constant 2 : i32
    %mul3A_2 = arith.muli %arg0, %mul3A_1 : i32
    %jit3A = arith.constant 8 : i32
    %div3A = arith.divsi %arg1, %jit3A : i32
    %sign3A = arith.constant 0 : i32
    %sign3A_3 = arith.cmpi sgt, %arg1, %sign3A : i32
    %sign3A_4 = arith.extui %sign3A_3 : i1 to i32
    %sign3A_5 = arith.constant 0 : i32
    %sign3A_6 = arith.cmpi slt, %arg1, %sign3A_5 : i32
    %sign3A_7 = arith.extui %sign3A_6 : i1 to i32
    %sign3A_8 = arith.subi %sign3A_4, %sign3A_7 : i32
    %sign3A_9 = arith.constant 0 : i32
    %sign3A_10 = arith.cmpi sgt, %jit3A, %sign3A_9 : i32
    %sign3A_11 = arith.extui %sign3A_10 : i1 to i32
    %sign3A_12 = arith.constant 0 : i32
    %sign3A_13 = arith.cmpi slt, %jit3A, %sign3A_12 : i32
    %sign3A_14 = arith.extui %sign3A_13 : i1 to i32
    %sign3A_15 = arith.subi %sign3A_11, %sign3A_14 : i32
    %ne3A = arith.cmpi ne, %sign3A_8, %sign3A_15 : i32
    %rem3A = arith.remsi %arg1, %jit3A : i32
    %ne3A_16 = arith.constant 0 : i32
    %ne3A_17 = arith.cmpi ne, %rem3A, %ne3A_16 : i32
    %and3A = arith.andi %ne3A, %ne3A_17 : i1
    %sub3A = arith.constant 1 : i32
    %sub3A_18 = arith.subi %div3A, %sub3A : i32
    %select_n3A = arith.select %and3A, %sub3A_18, %div3A : i32
    %add3A_19 = arith.addi %mul3A_2, %select_n3A : i32
    %jit3A_20 = arith.constant 8 : i32
    %eq3A = arith.constant 0 : i32
    %eq3A_21 = arith.cmpi eq, %jit3A_20, %eq3A : i32
    %jit3A_22 = arith.constant 1 : i32
    %select_n3A_23 = arith.select %eq3A_21, %jit3A_22, %jit3A_20 : i32
    %rem3A_24 = arith.remsi %arg1, %select_n3A_23 : i32
    %ne3A_25 = arith.constant 0 : i32
    %ne3A_26 = arith.cmpi ne, %rem3A_24, %ne3A_25 : i32
    %lt3A = arith.constant 0 : i32
    %lt3A_27 = arith.cmpi slt, %rem3A_24, %lt3A : i32
    %lt3A_28 = arith.constant 0 : i32
    %lt3A_29 = arith.cmpi slt, %select_n3A_23, %lt3A_28 : i32
    %ne3A_30 = arith.xori %lt3A_27, %lt3A_29 : i1
    %and3A_31 = arith.andi %ne3A_30, %ne3A_26 : i1
    %add3A_32 = arith.addi %rem3A_24, %select_n3A_23 : i32
    %select_n3A_33 = arith.select %and3A_31, %add3A_32, %rem3A_24 : i32
    %mul3A_34 = arith.constant 48 : i32
    %mul3A_35 = arith.muli %mul3A_34, %select_n3A_33 : i32
    "tpu.region"() ({
      %run_scoped3A_55 = tpu.sem_alloc : memref<!tpu.dma_semaphore, #tpu.memory_space<semaphore_mem>>
      %dma_start3A = arith.constant 0 : i32
      %dma_start3A_56 = tpu.memref_slice %arg2[%add3A_19, %mul3A_35, %dma_start3A] : memref<4x390x392xf32, #tpu.memory_space<hbm>> -> memref<1x54x392xf32, #tpu.memory_space<hbm>>
      %dma_start3A_57 = tpu.memref_squeeze %dma_start3A_56 : memref<1x54x392xf32, #tpu.memory_space<hbm>> -> memref<54x392xf32, #tpu.memory_space<hbm>>
      %dma_start3A_58 = arith.constant 0 : i32
      %dma_start3A_59 = tpu.memref_slice %arg2[%add3A_19, %mul3A_35, %dma_start3A_58] : memref<4x390x392xf32, #tpu.memory_space<hbm>> -> memref<1x54x392xf32, #tpu.memory_space<hbm>>
      %dma_start3A_60 = tpu.memref_squeeze %dma_start3A_59 : memref<1x54x392xf32, #tpu.memory_space<hbm>> -> memref<54x392xf32, #tpu.memory_space<hbm>>
      tpu.enqueue_dma source(%dma_start3A_60 : memref<54x392xf32, #tpu.memory_space<hbm>>) target(%arg5 : memref<54x392xf32, #tpu.memory_space<vmem>>) target_semaphore(%run_scoped3A_55 : memref<!tpu.dma_semaphore, #tpu.memory_space<semaphore_mem>>)
      %dma_wait3A = arith.constant 0 : i32
      %dma_wait3A_61 = tpu.memref_slice %arg2[%add3A_19, %mul3A_35, %dma_wait3A] : memref<4x390x392xf32, #tpu.memory_space<hbm>> -> memref<1x54x392xf32, #tpu.memory_space<hbm>>
      %dma_wait3A_62 = tpu.memref_squeeze %dma_wait3A_61 : memref<1x54x392xf32, #tpu.memory_space<hbm>> -> memref<54x392xf32, #tpu.memory_space<hbm>>
      %dma_wait3A_63 = arith.constant 0 : i32
      %dma_wait3A_64 = tpu.memref_slice %arg2[%add3A_19, %mul3A_35, %dma_wait3A_63] : memref<4x390x392xf32, #tpu.memory_space<hbm>> -> memref<1x54x392xf32, #tpu.memory_space<hbm>>
      %dma_wait3A_65 = tpu.memref_squeeze %dma_wait3A_64 : memref<1x54x392xf32, #tpu.memory_space<hbm>> -> memref<54x392xf32, #tpu.memory_space<hbm>>
      tpu.wait_dma2 semaphore(%run_scoped3A_55 : memref<!tpu.dma_semaphore, #tpu.memory_space<semaphore_mem>>) src(%dma_wait3A_65 : memref<54x392xf32, #tpu.memory_space<hbm>>) dst(%arg5 : memref<54x392xf32, #tpu.memory_space<vmem>>)
      tpu.yield
    }) : () -> ()
    "tpu.region"() ({
      %run_scoped3A_55 = tpu.sem_alloc : memref<!tpu.dma_semaphore, #tpu.memory_space<semaphore_mem>>
      %dma_start3A = arith.constant 0 : i32
      %dma_start3A_56 = tpu.memref_slice %arg3[%add3A_19, %mul3A_35, %dma_start3A] : memref<4x390x392xf32, #tpu.memory_space<hbm>> -> memref<1x54x392xf32, #tpu.memory_space<hbm>>
      %dma_start3A_57 = tpu.memref_squeeze %dma_start3A_56 : memref<1x54x392xf32, #tpu.memory_space<hbm>> -> memref<54x392xf32, #tpu.memory_space<hbm>>
      %dma_start3A_58 = arith.constant 0 : i32
      %dma_start3A_59 = tpu.memref_slice %arg3[%add3A_19, %mul3A_35, %dma_start3A_58] : memref<4x390x392xf32, #tpu.memory_space<hbm>> -> memref<1x54x392xf32, #tpu.memory_space<hbm>>
      %dma_start3A_60 = tpu.memref_squeeze %dma_start3A_59 : memref<1x54x392xf32, #tpu.memory_space<hbm>> -> memref<54x392xf32, #tpu.memory_space<hbm>>
      tpu.enqueue_dma source(%dma_start3A_60 : memref<54x392xf32, #tpu.memory_space<hbm>>) target(%arg6 : memref<54x392xf32, #tpu.memory_space<vmem>>) target_semaphore(%run_scoped3A_55 : memref<!tpu.dma_semaphore, #tpu.memory_space<semaphore_mem>>)
      %dma_wait3A = arith.constant 0 : i32
      %dma_wait3A_61 = tpu.memref_slice %arg3[%add3A_19, %mul3A_35, %dma_wait3A] : memref<4x390x392xf32, #tpu.memory_space<hbm>> -> memref<1x54x392xf32, #tpu.memory_space<hbm>>
      %dma_wait3A_62 = tpu.memref_squeeze %dma_wait3A_61 : memref<1x54x392xf32, #tpu.memory_space<hbm>> -> memref<54x392xf32, #tpu.memory_space<hbm>>
      %dma_wait3A_63 = arith.constant 0 : i32
      %dma_wait3A_64 = tpu.memref_slice %arg3[%add3A_19, %mul3A_35, %dma_wait3A_63] : memref<4x390x392xf32, #tpu.memory_space<hbm>> -> memref<1x54x392xf32, #tpu.memory_space<hbm>>
      %dma_wait3A_65 = tpu.memref_squeeze %dma_wait3A_64 : memref<1x54x392xf32, #tpu.memory_space<hbm>> -> memref<54x392xf32, #tpu.memory_space<hbm>>
      tpu.wait_dma2 semaphore(%run_scoped3A_55 : memref<!tpu.dma_semaphore, #tpu.memory_space<semaphore_mem>>) src(%dma_wait3A_65 : memref<54x392xf32, #tpu.memory_space<hbm>>) dst(%arg6 : memref<54x392xf32, #tpu.memory_space<vmem>>)
      tpu.yield
    }) : () -> ()
    %broadcast_in_dim3A = arith.constant 0.000000e+00 : f32
    %broadcast_in_dim3A_36 = vector.broadcast %broadcast_in_dim3A : f32 to vector<16xf32>
    %scan3A = arith.constant 0 : i32
    %scan3A_37 = arith.constant 0 : i32
    %scan3A_38 = arith.constant 128 : i32
    %scan3A_39 = arith.addi %scan3A_37, %scan3A_38 : i32
    %scan3A_40 = arith.constant 1 : i32
    scf.for %scan3A_55 = %scan3A_37 to %scan3A_39 step %scan3A_40  : i32 {
      %mul3A_56 = arith.constant 16 : i32
      %mul3A_57 = arith.muli %scan3A_55, %mul3A_56 : i32
      %swap3A = arith.index_cast %mul3A_57 : i32 to index
      %swap3A_58 = tpu.vector_load %arg7[%swap3A] {strides = array<i32>} : memref<2048xf32, #tpu.memory_space<vmem>>, vector<16xf32>,
      tpu.vector_store %arg7[%swap3A], %broadcast_in_dim3A_36 {strides = array<i32>} : memref<2048xf32, #tpu.memory_space<vmem>>, vector<16xf32>,
      %mul3A_59 = arith.constant 16 : i32
      %mul3A_60 = arith.muli %scan3A_55, %mul3A_59 : i32
      %swap3A_61 = arith.index_cast %mul3A_60 : i32 to index
      %swap3A_62 = tpu.vector_load %arg8[%swap3A_61] {strides = array<i32>} : memref<2048xf32, #tpu.memory_space<vmem>>, vector<16xf32>,
      tpu.vector_store %arg8[%swap3A_61], %broadcast_in_dim3A_36 {strides = array<i32>} : memref<2048xf32, #tpu.memory_space<vmem>>, vector<16xf32>,
    }
    %scan3A_41 = arith.constant 128 : i32
    %broadcast_in_dim3A_42 = arith.constant 1.000000e+00 : f32
    %broadcast_in_dim3A_43 = vector.broadcast %broadcast_in_dim3A_42 : f32 to vector<16xf32>
    %broadcast_in_dim3A_44 = arith.constant 2.000000e+00 : f32
    %broadcast_in_dim3A_45 = vector.broadcast %broadcast_in_dim3A_44 : f32 to vector<16xf32>
    %iota3A = tpu.iota {dimensions = array<i32: 0>} : vector<16xi32>
    %scan3A_46 = arith.constant 0 : i32
    %scan3A_47 = arith.constant 0.000000e+00 : f32
    %scan3A_48 = arith.constant 63.96875 : f32
    %scan3A_49 = arith.constant 0 : i32
    %scan3A_50 = arith.constant 24 : i32
    %scan3A_51 = arith.addi %scan3A_49, %scan3A_50 : i32
    %scan3A_52 = arith.constant 1 : i32
    scf.for %scan3A_55 = %scan3A_49 to %scan3A_51 step %scan3A_52  : i32 {
      %mul3A_56 = arith.constant 16 : i32
      %mul3A_57 = arith.muli %scan3A_55, %mul3A_56 : i32
      %add3A_58 = vector.broadcast %mul3A_57 : i32 to vector<16xi32>
      %add3A_59 = arith.addi %iota3A, %add3A_58 : vector<16xi32>
      %add3A_60 = arith.constant -3 : i32
      %add3A_61 = vector.broadcast %add3A_60 : i32 to vector<16xi32>
      %add3A_62 = arith.addi %add3A_59, %add3A_61 : vector<16xi32>
      %ge3A = arith.constant 0 : i32
      %ge3A_63 = vector.broadcast %ge3A : i32 to vector<16xi32>
      %ge3A_64 = arith.cmpi sge, %add3A_62, %ge3A_63 : vector<16xi32>
      %add3A_65 = arith.constant -3 : i32
      %add3A_66 = vector.broadcast %add3A_65 : i32 to vector<16xi32>
      %add3A_67 = arith.addi %add3A_59, %add3A_66 : vector<16xi32>
      %lt3A_68 = arith.constant 384 : i32
      %lt3A_69 = vector.broadcast %lt3A_68 : i32 to vector<16xi32>
      %lt3A_70 = arith.cmpi slt, %add3A_67, %lt3A_69 : vector<16xi32>
      %and3A_71 = arith.andi %ge3A_64, %lt3A_70 : vector<16xi1>
      %add3A_72 = arith.constant -2 : i32
      %add3A_73 = vector.broadcast %add3A_72 : i32 to vector<16xi32>
      %add3A_74 = arith.addi %add3A_59, %add3A_73 : vector<16xi32>
      %ge3A_75 = arith.constant 0 : i32
      %ge3A_76 = vector.broadcast %ge3A_75 : i32 to vector<16xi32>
      %ge3A_77 = arith.cmpi sge, %add3A_74, %ge3A_76 : vector<16xi32>
      %add3A_78 = arith.constant -2 : i32
      %add3A_79 = vector.broadcast %add3A_78 : i32 to vector<16xi32>
      %add3A_80 = arith.addi %add3A_59, %add3A_79 : vector<16xi32>
      %lt3A_81 = arith.constant 384 : i32
      %lt3A_82 = vector.broadcast %lt3A_81 : i32 to vector<16xi32>
      %lt3A_83 = arith.cmpi slt, %add3A_80, %lt3A_82 : vector<16xi32>
      %and3A_84 = arith.andi %ge3A_77, %lt3A_83 : vector<16xi1>
      %add3A_85 = arith.constant -1 : i32
      %add3A_86 = vector.broadcast %add3A_85 : i32 to vector<16xi32>
      %add3A_87 = arith.addi %add3A_59, %add3A_86 : vector<16xi32>
      %ge3A_88 = arith.constant 0 : i32
      %ge3A_89 = vector.broadcast %ge3A_88 : i32 to vector<16xi32>
      %ge3A_90 = arith.cmpi sge, %add3A_87, %ge3A_89 : vector<16xi32>
      %add3A_91 = arith.constant -1 : i32
      %add3A_92 = vector.broadcast %add3A_91 : i32 to vector<16xi32>
      %add3A_93 = arith.addi %add3A_59, %add3A_92 : vector<16xi32>
      %lt3A_94 = arith.constant 384 : i32
      %lt3A_95 = vector.broadcast %lt3A_94 : i32 to vector<16xi32>
      %lt3A_96 = arith.cmpi slt, %add3A_93, %lt3A_95 : vector<16xi32>
      %and3A_97 = arith.andi %ge3A_90, %lt3A_96 : vector<16xi1>
      %add3A_98 = arith.constant 0 : i32
      %add3A_99 = vector.broadcast %add3A_98 : i32 to vector<16xi32>
      %add3A_100 = arith.addi %add3A_59, %add3A_99 : vector<16xi32>
      %ge3A_101 = arith.constant 0 : i32
      %ge3A_102 = vector.broadcast %ge3A_101 : i32 to vector<16xi32>
      %ge3A_103 = arith.cmpi sge, %add3A_100, %ge3A_102 : vector<16xi32>
      %add3A_104 = arith.constant 0 : i32
      %add3A_105 = vector.broadcast %add3A_104 : i32 to vector<16xi32>
      %add3A_106 = arith.addi %add3A_59, %add3A_105 : vector<16xi32>
      %lt3A_107 = arith.constant 384 : i32
      %lt3A_108 = vector.broadcast %lt3A_107 : i32 to vector<16xi32>
      %lt3A_109 = arith.cmpi slt, %add3A_106, %lt3A_108 : vector<16xi32>
      %and3A_110 = arith.andi %ge3A_103, %lt3A_109 : vector<16xi1>
      %add3A_111 = arith.constant 1 : i32
      %add3A_112 = vector.broadcast %add3A_111 : i32 to vector<16xi32>
      %add3A_113 = arith.addi %add3A_59, %add3A_112 : vector<16xi32>
      %ge3A_114 = arith.constant 0 : i32
      %ge3A_115 = vector.broadcast %ge3A_114 : i32 to vector<16xi32>
      %ge3A_116 = arith.cmpi sge, %add3A_113, %ge3A_115 : vector<16xi32>
      %add3A_117 = arith.constant 1 : i32
      %add3A_118 = vector.broadcast %add3A_117 : i32 to vector<16xi32>
      %add3A_119 = arith.addi %add3A_59, %add3A_118 : vector<16xi32>
      %lt3A_120 = arith.constant 384 : i32
      %lt3A_121 = vector.broadcast %lt3A_120 : i32 to vector<16xi32>
      %lt3A_122 = arith.cmpi slt, %add3A_119, %lt3A_121 : vector<16xi32>
      %and3A_123 = arith.andi %ge3A_116, %lt3A_122 : vector<16xi1>
      %add3A_124 = arith.constant 2 : i32
      %add3A_125 = vector.broadcast %add3A_124 : i32 to vector<16xi32>
      %add3A_126 = arith.addi %add3A_59, %add3A_125 : vector<16xi32>
      %ge3A_127 = arith.constant 0 : i32
      %ge3A_128 = vector.broadcast %ge3A_127 : i32 to vector<16xi32>
      %ge3A_129 = arith.cmpi sge, %add3A_126, %ge3A_128 : vector<16xi32>
      %add3A_130 = arith.constant 2 : i32
      %add3A_131 = vector.broadcast %add3A_130 : i32 to vector<16xi32>
      %add3A_132 = arith.addi %add3A_59, %add3A_131 : vector<16xi32>
      %lt3A_133 = arith.constant 384 : i32
      %lt3A_134 = vector.broadcast %lt3A_133 : i32 to vector<16xi32>
      %lt3A_135 = arith.cmpi slt, %add3A_132, %lt3A_134 : vector<16xi32>
      %and3A_136 = arith.andi %ge3A_129, %lt3A_135 : vector<16xi1>
      %add3A_137 = arith.constant 3 : i32
      %add3A_138 = vector.broadcast %add3A_137 : i32 to vector<16xi32>
      %add3A_139 = arith.addi %add3A_59, %add3A_138 : vector<16xi32>
      %ge3A_140 = arith.constant 0 : i32
      %ge3A_141 = vector.broadcast %ge3A_140 : i32 to vector<16xi32>
      %ge3A_142 = arith.cmpi sge, %add3A_139, %ge3A_141 : vector<16xi32>
      %add3A_143 = arith.constant 3 : i32
      %add3A_144 = vector.broadcast %add3A_143 : i32 to vector<16xi32>
      %add3A_145 = arith.addi %add3A_59, %add3A_144 : vector<16xi32>
      %lt3A_146 = arith.constant 384 : i32
      %lt3A_147 = vector.broadcast %lt3A_146 : i32 to vector<16xi32>
      %lt3A_148 = arith.cmpi slt, %add3A_145, %lt3A_147 : vector<16xi32>
      %and3A_149 = arith.andi %ge3A_142, %lt3A_148 : vector<16xi1>
      %sub3A_150 = arith.constant 3 : i32
      %sub3A_151 = vector.broadcast %sub3A_150 : i32 to vector<16xi32>
      %sub3A_152 = arith.subi %sub3A_151, %add3A_59 : vector<16xi32>
      %max3A = arith.constant 0 : i32
      %max3A_153 = vector.broadcast %max3A : i32 to vector<16xi32>
      %max3A_154 = arith.maxsi %sub3A_152, %max3A_153 : vector<16xi32>
      %sub3A_155 = arith.constant 7 : i32
      %sub3A_156 = vector.broadcast %sub3A_155 : i32 to vector<16xi32>
      %sub3A_157 = arith.subi %sub3A_156, %max3A_154 : vector<16xi32>
      %sub3A_158 = arith.constant 380 : i32
      %sub3A_159 = vector.broadcast %sub3A_158 : i32 to vector<16xi32>
      %sub3A_160 = arith.subi %add3A_59, %sub3A_159 : vector<16xi32>
      %max3A_161 = arith.constant 0 : i32
      %max3A_162 = vector.broadcast %max3A_161 : i32 to vector<16xi32>
      %max3A_163 = arith.maxsi %sub3A_160, %max3A_162 : vector<16xi32>
      %sub3A_164 = arith.subi %sub3A_157, %max3A_163 : vector<16xi32>
      %scan3A_165 = arith.constant 0 : i32
      %scan3A_166 = arith.constant 0 : i32
      %scan3A_167 = arith.constant 48 : i32
      %scan3A_168 = arith.addi %scan3A_166, %scan3A_167 : i32
      %scan3A_169 = arith.constant 1 : i32
      scf.for %scan3A_171 = %scan3A_166 to %scan3A_168 step %scan3A_169  : i32 {
        %mul3A_172 = arith.constant 48 : i32
        %mul3A_173 = arith.muli %mul3A_172, %select_n3A_33 : i32
        %add3A_174 = arith.addi %mul3A_173, %scan3A_171 : i32
        %add3A_175 = arith.constant 3 : i32
        %add3A_176 = arith.addi %scan3A_171, %add3A_175 : i32
        %add3A_177 = arith.constant 3 : i32
        %add3A_178 = arith.addi %mul3A_57, %add3A_177 : i32
        %get3A = arith.index_cast %add3A_176 : i32 to index
        %get3A_179 = arith.index_cast %add3A_178 : i32 to index
        %get3A_180 = tpu.vector_load %arg5[%get3A, %get3A_179] {strides = array<i32>} : memref<54x392xf32, #tpu.memory_space<vmem>>, vector<16xf32>,
        %add3A_181 = arith.constant 3 : i32
        %add3A_182 = arith.addi %scan3A_171, %add3A_181 : i32
        %add3A_183 = arith.constant 3 : i32
        %add3A_184 = arith.addi %mul3A_57, %add3A_183 : i32
        %get3A_185 = arith.index_cast %add3A_182 : i32 to index
        %get3A_186 = arith.index_cast %add3A_184 : i32 to index
        %get3A_187 = tpu.vector_load %arg6[%get3A_185, %get3A_186] {strides = array<i32>} : memref<54x392xf32, #tpu.memory_space<vmem>>, vector<16xf32>,
        %add3A_188 = arith.constant 1 : i32
        %add3A_189 = arith.addi %add3A_174, %add3A_188 : i32
        %lt3A_190 = arith.constant 384 : i32
        %lt3A_191 = arith.cmpi slt, %add3A_189, %lt3A_190 : i32
        %add3A_192 = arith.constant 2 : i32
        %add3A_193 = arith.addi %add3A_174, %add3A_192 : i32
        %lt3A_194 = arith.constant 384 : i32
        %lt3A_195 = arith.cmpi slt, %add3A_193, %lt3A_194 : i32
        %add3A_196 = arith.constant 3 : i32
        %add3A_197 = arith.addi %add3A_174, %add3A_196 : i32
        %lt3A_198 = arith.constant 384 : i32
        %lt3A_199 = arith.cmpi slt, %add3A_197, %lt3A_198 : i32
        %add3A_200 = arith.constant 4 : i32
        %add3A_201 = arith.addi %scan3A_171, %add3A_200 : i32
        %add3A_202 = arith.constant 0 : i32
        %add3A_203 = arith.addi %mul3A_57, %add3A_202 : i32
        %get3A_204 = arith.index_cast %add3A_201 : i32 to index
        %get3A_205 = arith.index_cast %add3A_203 : i32 to index
        %get3A_206 = tpu.vector_load %arg5[%get3A_204, %get3A_205] {strides = array<i32>} : memref<54x392xf32, #tpu.memory_space<vmem>>, vector<16xf32>,
        %add3A_207 = arith.constant 4 : i32
        %add3A_208 = arith.addi %scan3A_171, %add3A_207 : i32
        %add3A_209 = arith.constant 0 : i32
        %add3A_210 = arith.addi %mul3A_57, %add3A_209 : i32
        %get3A_211 = arith.index_cast %add3A_208 : i32 to index
        %get3A_212 = arith.index_cast %add3A_210 : i32 to index
        %get3A_213 = tpu.vector_load %arg6[%get3A_211, %get3A_212] {strides = array<i32>} : memref<54x392xf32, #tpu.memory_space<vmem>>, vector<16xf32>,
        %eq3A_214 = arith.cmpf oeq, %get3A_187, %get3A_213 : vector<16xf32>
        %sub3A_215 = arith.subf %get3A_180, %get3A_206 : vector<16xf32>
        %abs3A = math.absf %sub3A_215 : vector<16xf32>
        %broadcast_in_dim3A_216 = vector.broadcast %scan3A_47 : f32 to vector<16xf32>
        %select_n3A_217 = arith.select %eq3A_214, %abs3A, %broadcast_in_dim3A_216 : vector<16xi1>, vector<16xf32>
        %min3A = vector.broadcast %scan3A_48 : f32 to vector<16xf32>
        %min3A_218 = arith.minimumf %select_n3A_217, %min3A : vector<16xf32>
        %mul3A_219 = arith.constant 3.200000e+01 : f32
        %mul3A_220 = vector.broadcast %mul3A_219 : f32 to vector<16xf32>
        %mul3A_221 = arith.mulf %min3A_218, %mul3A_220 : vector<16xf32>
        %convert_element_type3A = arith.fptosi %mul3A_221 : vector<16xf32> to vector<16xi32>
        %gt3A = vector.broadcast %scan3A_47 : f32 to vector<16xf32>
        %gt3A_222 = arith.cmpf ogt, %select_n3A_217, %gt3A : vector<16xf32>
        %and3A_223 = arith.andi %gt3A_222, %and3A_71 : vector<16xi1>
        %and3A_224 = vector.broadcast %lt3A_191 : i1 to vector<16xi1>
        %and3A_225 = arith.andi %and3A_223, %and3A_224 : vector<16xi1>
        %add3A_226 = arith.addf %select_n3A_217, %select_n3A_217 : vector<16xf32>
        %add3A_227 = arith.constant 4 : i32
        %add3A_228 = arith.addi %scan3A_171, %add3A_227 : i32
        %add3A_229 = arith.constant 1 : i32
        %add3A_230 = arith.addi %mul3A_57, %add3A_229 : i32
        %get3A_231 = arith.index_cast %add3A_228 : i32 to index
        %get3A_232 = arith.index_cast %add3A_230 : i32 to index
        %get3A_233 = tpu.vector_load %arg5[%get3A_231, %get3A_232] {strides = array<i32>} : memref<54x392xf32, #tpu.memory_space<vmem>>, vector<16xf32>,
        %add3A_234 = arith.constant 4 : i32
        %add3A_235 = arith.addi %scan3A_171, %add3A_234 : i32
        %add3A_236 = arith.constant 1 : i32
        %add3A_237 = arith.addi %mul3A_57, %add3A_236 : i32
        %get3A_238 = arith.index_cast %add3A_235 : i32 to index
        %get3A_239 = arith.index_cast %add3A_237 : i32 to index
        %get3A_240 = tpu.vector_load %arg6[%get3A_238, %get3A_239] {strides = array<i32>} : memref<54x392xf32, #tpu.memory_space<vmem>>, vector<16xf32>,
        %eq3A_241 = arith.cmpf oeq, %get3A_187, %get3A_240 : vector<16xf32>
        %sub3A_242 = arith.subf %get3A_180, %get3A_233 : vector<16xf32>
        %abs3A_243 = math.absf %sub3A_242 : vector<16xf32>
        %broadcast_in_dim3A_244 = vector.broadcast %scan3A_47 : f32 to vector<16xf32>
        %select_n3A_245 = arith.select %eq3A_241, %abs3A_243, %broadcast_in_dim3A_244 : vector<16xi1>, vector<16xf32>
        %min3A_246 = vector.broadcast %scan3A_48 : f32 to vector<16xf32>
        %min3A_247 = arith.minimumf %select_n3A_245, %min3A_246 : vector<16xf32>
        %mul3A_248 = arith.constant 3.200000e+01 : f32
        %mul3A_249 = vector.broadcast %mul3A_248 : f32 to vector<16xf32>
        %mul3A_250 = arith.mulf %min3A_247, %mul3A_249 : vector<16xf32>
        %convert_element_type3A_251 = arith.fptosi %mul3A_250 : vector<16xf32> to vector<16xi32>
        %gt3A_252 = vector.broadcast %scan3A_47 : f32 to vector<16xf32>
        %gt3A_253 = arith.cmpf ogt, %select_n3A_245, %gt3A_252 : vector<16xf32>
        %and3A_254 = arith.andi %gt3A_253, %and3A_84 : vector<16xi1>
        %and3A_255 = vector.broadcast %lt3A_191 : i1 to vector<16xi1>
        %and3A_256 = arith.andi %and3A_254, %and3A_255 : vector<16xi1>
        %add3A_257 = arith.addf %select_n3A_245, %select_n3A_245 : vector<16xf32>
        %add3A_258 = arith.constant 4 : i32
        %add3A_259 = arith.addi %scan3A_171, %add3A_258 : i32
        %add3A_260 = arith.constant 2 : i32
        %add3A_261 = arith.addi %mul3A_57, %add3A_260 : i32
        %get3A_262 = arith.index_cast %add3A_259 : i32 to index
        %get3A_263 = arith.index_cast %add3A_261 : i32 to index
        %get3A_264 = tpu.vector_load %arg5[%get3A_262, %get3A_263] {strides = array<i32>} : memref<54x392xf32, #tpu.memory_space<vmem>>, vector<16xf32>,
        %add3A_265 = arith.constant 4 : i32
        %add3A_266 = arith.addi %scan3A_171, %add3A_265 : i32
        %add3A_267 = arith.constant 2 : i32
        %add3A_268 = arith.addi %mul3A_57, %add3A_267 : i32
        %get3A_269 = arith.index_cast %add3A_266 : i32 to index
        %get3A_270 = arith.index_cast %add3A_268 : i32 to index
        %get3A_271 = tpu.vector_load %arg6[%get3A_269, %get3A_270] {strides = array<i32>} : memref<54x392xf32, #tpu.memory_space<vmem>>, vector<16xf32>,
        %eq3A_272 = arith.cmpf oeq, %get3A_187, %get3A_271 : vector<16xf32>
        %sub3A_273 = arith.subf %get3A_180, %get3A_264 : vector<16xf32>
        %abs3A_274 = math.absf %sub3A_273 : vector<16xf32>
        %broadcast_in_dim3A_275 = vector.broadcast %scan3A_47 : f32 to vector<16xf32>
        %select_n3A_276 = arith.select %eq3A_272, %abs3A_274, %broadcast_in_dim3A_275 : vector<16xi1>, vector<16xf32>
        %min3A_277 = vector.broadcast %scan3A_48 : f32 to vector<16xf32>
        %min3A_278 = arith.minimumf %select_n3A_276, %min3A_277 : vector<16xf32>
        %mul3A_279 = arith.constant 3.200000e+01 : f32
        %mul3A_280 = vector.broadcast %mul3A_279 : f32 to vector<16xf32>
        %mul3A_281 = arith.mulf %min3A_278, %mul3A_280 : vector<16xf32>
        %convert_element_type3A_282 = arith.fptosi %mul3A_281 : vector<16xf32> to vector<16xi32>
        %gt3A_283 = vector.broadcast %scan3A_47 : f32 to vector<16xf32>
        %gt3A_284 = arith.cmpf ogt, %select_n3A_276, %gt3A_283 : vector<16xf32>
        %and3A_285 = arith.andi %gt3A_284, %and3A_97 : vector<16xi1>
        %and3A_286 = vector.broadcast %lt3A_191 : i1 to vector<16xi1>
        %and3A_287 = arith.andi %and3A_285, %and3A_286 : vector<16xi1>
        %add3A_288 = arith.addf %select_n3A_276, %select_n3A_276 : vector<16xf32>
        %add3A_289 = arith.constant 4 : i32
        %add3A_290 = arith.addi %scan3A_171, %add3A_289 : i32
        %add3A_291 = arith.constant 3 : i32
        %add3A_292 = arith.addi %mul3A_57, %add3A_291 : i32
        %get3A_293 = arith.index_cast %add3A_290 : i32 to index
        %get3A_294 = arith.index_cast %add3A_292 : i32 to index
        %get3A_295 = tpu.vector_load %arg5[%get3A_293, %get3A_294] {strides = array<i32>} : memref<54x392xf32, #tpu.memory_space<vmem>>, vector<16xf32>,
        %add3A_296 = arith.constant 4 : i32
        %add3A_297 = arith.addi %scan3A_171, %add3A_296 : i32
        %add3A_298 = arith.constant 3 : i32
        %add3A_299 = arith.addi %mul3A_57, %add3A_298 : i32
        %get3A_300 = arith.index_cast %add3A_297 : i32 to index
        %get3A_301 = arith.index_cast %add3A_299 : i32 to index
        %get3A_302 = tpu.vector_load %arg6[%get3A_300, %get3A_301] {strides = array<i32>} : memref<54x392xf32, #tpu.memory_space<vmem>>, vector<16xf32>,
        %eq3A_303 = arith.cmpf oeq, %get3A_187, %get3A_302 : vector<16xf32>
        %sub3A_304 = arith.subf %get3A_180, %get3A_295 : vector<16xf32>
        %abs3A_305 = math.absf %sub3A_304 : vector<16xf32>
        %broadcast_in_dim3A_306 = vector.broadcast %scan3A_47 : f32 to vector<16xf32>
        %select_n3A_307 = arith.select %eq3A_303, %abs3A_305, %broadcast_in_dim3A_306 : vector<16xi1>, vector<16xf32>
        %min3A_308 = vector.broadcast %scan3A_48 : f32 to vector<16xf32>
        %min3A_309 = arith.minimumf %select_n3A_307, %min3A_308 : vector<16xf32>
        %mul3A_310 = arith.constant 3.200000e+01 : f32
        %mul3A_311 = vector.broadcast %mul3A_310 : f32 to vector<16xf32>
        %mul3A_312 = arith.mulf %min3A_309, %mul3A_311 : vector<16xf32>
        %convert_element_type3A_313 = arith.fptosi %mul3A_312 : vector<16xf32> to vector<16xi32>
        %gt3A_314 = vector.broadcast %scan3A_47 : f32 to vector<16xf32>
        %gt3A_315 = arith.cmpf ogt, %select_n3A_307, %gt3A_314 : vector<16xf32>
        %and3A_316 = arith.andi %gt3A_315, %and3A_110 : vector<16xi1>
        %and3A_317 = vector.broadcast %lt3A_191 : i1 to vector<16xi1>
        %and3A_318 = arith.andi %and3A_316, %and3A_317 : vector<16xi1>
        %add3A_319 = arith.addf %select_n3A_307, %select_n3A_307 : vector<16xf32>
        %add3A_320 = arith.constant 4 : i32
        %add3A_321 = arith.addi %scan3A_171, %add3A_320 : i32
        %add3A_322 = arith.constant 4 : i32
        %add3A_323 = arith.addi %mul3A_57, %add3A_322 : i32
        %get3A_324 = arith.index_cast %add3A_321 : i32 to index
        %get3A_325 = arith.index_cast %add3A_323 : i32 to index
        %get3A_326 = tpu.vector_load %arg5[%get3A_324, %get3A_325] {strides = array<i32>} : memref<54x392xf32, #tpu.memory_space<vmem>>, vector<16xf32>,
        %add3A_327 = arith.constant 4 : i32
        %add3A_328 = arith.addi %scan3A_171, %add3A_327 : i32
        %add3A_329 = arith.constant 4 : i32
        %add3A_330 = arith.addi %mul3A_57, %add3A_329 : i32
        %get3A_331 = arith.index_cast %add3A_328 : i32 to index
        %get3A_332 = arith.index_cast %add3A_330 : i32 to index
        %get3A_333 = tpu.vector_load %arg6[%get3A_331, %get3A_332] {strides = array<i32>} : memref<54x392xf32, #tpu.memory_space<vmem>>, vector<16xf32>,
        %eq3A_334 = arith.cmpf oeq, %get3A_187, %get3A_333 : vector<16xf32>
        %sub3A_335 = arith.subf %get3A_180, %get3A_326 : vector<16xf32>
        %abs3A_336 = math.absf %sub3A_335 : vector<16xf32>
        %broadcast_in_dim3A_337 = vector.broadcast %scan3A_47 : f32 to vector<16xf32>
        %select_n3A_338 = arith.select %eq3A_334, %abs3A_336, %broadcast_in_dim3A_337 : vector<16xi1>, vector<16xf32>
        %min3A_339 = vector.broadcast %scan3A_48 : f32 to vector<16xf32>
        %min3A_340 = arith.minimumf %select_n3A_338, %min3A_339 : vector<16xf32>
        %mul3A_341 = arith.constant 3.200000e+01 : f32
        %mul3A_342 = vector.broadcast %mul3A_341 : f32 to vector<16xf32>
        %mul3A_343 = arith.mulf %min3A_340, %mul3A_342 : vector<16xf32>
        %convert_element_type3A_344 = arith.fptosi %mul3A_343 : vector<16xf32> to vector<16xi32>
        %gt3A_345 = vector.broadcast %scan3A_47 : f32 to vector<16xf32>
        %gt3A_346 = arith.cmpf ogt, %select_n3A_338, %gt3A_345 : vector<16xf32>
        %and3A_347 = arith.andi %gt3A_346, %and3A_123 : vector<16xi1>
        %and3A_348 = vector.broadcast %lt3A_191 : i1 to vector<16xi1>
        %and3A_349 = arith.andi %and3A_347, %and3A_348 : vector<16xi1>
        %add3A_350 = arith.addf %select_n3A_338, %select_n3A_338 : vector<16xf32>
        %add3A_351 = arith.constant 4 : i32
        %add3A_352 = arith.addi %scan3A_171, %add3A_351 : i32
        %add3A_353 = arith.constant 5 : i32
        %add3A_354 = arith.addi %mul3A_57, %add3A_353 : i32
        %get3A_355 = arith.index_cast %add3A_352 : i32 to index
        %get3A_356 = arith.index_cast %add3A_354 : i32 to index
        %get3A_357 = tpu.vector_load %arg5[%get3A_355, %get3A_356] {strides = array<i32>} : memref<54x392xf32, #tpu.memory_space<vmem>>, vector<16xf32>,
        %add3A_358 = arith.constant 4 : i32
        %add3A_359 = arith.addi %scan3A_171, %add3A_358 : i32
        %add3A_360 = arith.constant 5 : i32
        %add3A_361 = arith.addi %mul3A_57, %add3A_360 : i32
        %get3A_362 = arith.index_cast %add3A_359 : i32 to index
        %get3A_363 = arith.index_cast %add3A_361 : i32 to index
        %get3A_364 = tpu.vector_load %arg6[%get3A_362, %get3A_363] {strides = array<i32>} : memref<54x392xf32, #tpu.memory_space<vmem>>, vector<16xf32>,
        %eq3A_365 = arith.cmpf oeq, %get3A_187, %get3A_364 : vector<16xf32>
        %sub3A_366 = arith.subf %get3A_180, %get3A_357 : vector<16xf32>
        %abs3A_367 = math.absf %sub3A_366 : vector<16xf32>
        %broadcast_in_dim3A_368 = vector.broadcast %scan3A_47 : f32 to vector<16xf32>
        %select_n3A_369 = arith.select %eq3A_365, %abs3A_367, %broadcast_in_dim3A_368 : vector<16xi1>, vector<16xf32>
        %min3A_370 = vector.broadcast %scan3A_48 : f32 to vector<16xf32>
        %min3A_371 = arith.minimumf %select_n3A_369, %min3A_370 : vector<16xf32>
        %mul3A_372 = arith.constant 3.200000e+01 : f32
        %mul3A_373 = vector.broadcast %mul3A_372 : f32 to vector<16xf32>
        %mul3A_374 = arith.mulf %min3A_371, %mul3A_373 : vector<16xf32>
        %convert_element_type3A_375 = arith.fptosi %mul3A_374 : vector<16xf32> to vector<16xi32>
        %gt3A_376 = vector.broadcast %scan3A_47 : f32 to vector<16xf32>
        %gt3A_377 = arith.cmpf ogt, %select_n3A_369, %gt3A_376 : vector<16xf32>
        %and3A_378 = arith.andi %gt3A_377, %and3A_136 : vector<16xi1>
        %and3A_379 = vector.broadcast %lt3A_191 : i1 to vector<16xi1>
        %and3A_380 = arith.andi %and3A_378, %and3A_379 : vector<16xi1>
        %add3A_381 = arith.addf %select_n3A_369, %select_n3A_369 : vector<16xf32>
        %add3A_382 = arith.constant 4 : i32
        %add3A_383 = arith.addi %scan3A_171, %add3A_382 : i32
        %add3A_384 = arith.constant 6 : i32
        %add3A_385 = arith.addi %mul3A_57, %add3A_384 : i32
        %get3A_386 = arith.index_cast %add3A_383 : i32 to index
        %get3A_387 = arith.index_cast %add3A_385 : i32 to index
        %get3A_388 = tpu.vector_load %arg5[%get3A_386, %get3A_387] {strides = array<i32>} : memref<54x392xf32, #tpu.memory_space<vmem>>, vector<16xf32>,
        %add3A_389 = arith.constant 4 : i32
        %add3A_390 = arith.addi %scan3A_171, %add3A_389 : i32
        %add3A_391 = arith.constant 6 : i32
        %add3A_392 = arith.addi %mul3A_57, %add3A_391 : i32
        %get3A_393 = arith.index_cast %add3A_390 : i32 to index
        %get3A_394 = arith.index_cast %add3A_392 : i32 to index
        %get3A_395 = tpu.vector_load %arg6[%get3A_393, %get3A_394] {strides = array<i32>} : memref<54x392xf32, #tpu.memory_space<vmem>>, vector<16xf32>,
        %eq3A_396 = arith.cmpf oeq, %get3A_187, %get3A_395 : vector<16xf32>
        %sub3A_397 = arith.subf %get3A_180, %get3A_388 : vector<16xf32>
        %abs3A_398 = math.absf %sub3A_397 : vector<16xf32>
        %broadcast_in_dim3A_399 = vector.broadcast %scan3A_47 : f32 to vector<16xf32>
        %select_n3A_400 = arith.select %eq3A_396, %abs3A_398, %broadcast_in_dim3A_399 : vector<16xi1>, vector<16xf32>
        %min3A_401 = vector.broadcast %scan3A_48 : f32 to vector<16xf32>
        %min3A_402 = arith.minimumf %select_n3A_400, %min3A_401 : vector<16xf32>
        %mul3A_403 = arith.constant 3.200000e+01 : f32
        %mul3A_404 = vector.broadcast %mul3A_403 : f32 to vector<16xf32>
        %mul3A_405 = arith.mulf %min3A_402, %mul3A_404 : vector<16xf32>
        %convert_element_type3A_406 = arith.fptosi %mul3A_405 : vector<16xf32> to vector<16xi32>
        %gt3A_407 = vector.broadcast %scan3A_47 : f32 to vector<16xf32>
        %gt3A_408 = arith.cmpf ogt, %select_n3A_400, %gt3A_407 : vector<16xf32>
        %and3A_409 = arith.andi %gt3A_408, %and3A_149 : vector<16xi1>
        %and3A_410 = vector.broadcast %lt3A_191 : i1 to vector<16xi1>
        %and3A_411 = arith.andi %and3A_409, %and3A_410 : vector<16xi1>
        %add3A_412 = arith.addf %select_n3A_400, %select_n3A_400 : vector<16xf32>
        %add3A_413 = arith.constant 5 : i32
        %add3A_414 = arith.addi %scan3A_171, %add3A_413 : i32
        %add3A_415 = arith.constant 0 : i32
        %add3A_416 = arith.addi %mul3A_57, %add3A_415 : i32
        %get3A_417 = arith.index_cast %add3A_414 : i32 to index
        %get3A_418 = arith.index_cast %add3A_416 : i32 to index
        %get3A_419 = tpu.vector_load %arg5[%get3A_417, %get3A_418] {strides = array<i32>} : memref<54x392xf32, #tpu.memory_space<vmem>>, vector<16xf32>,
        %add3A_420 = arith.constant 5 : i32
        %add3A_421 = arith.addi %scan3A_171, %add3A_420 : i32
        %add3A_422 = arith.constant 0 : i32
        %add3A_423 = arith.addi %mul3A_57, %add3A_422 : i32
        %get3A_424 = arith.index_cast %add3A_421 : i32 to index
        %get3A_425 = arith.index_cast %add3A_423 : i32 to index
        %get3A_426 = tpu.vector_load %arg6[%get3A_424, %get3A_425] {strides = array<i32>} : memref<54x392xf32, #tpu.memory_space<vmem>>, vector<16xf32>,
        %eq3A_427 = arith.cmpf oeq, %get3A_187, %get3A_426 : vector<16xf32>
        %sub3A_428 = arith.subf %get3A_180, %get3A_419 : vector<16xf32>
        %abs3A_429 = math.absf %sub3A_428 : vector<16xf32>
        %broadcast_in_dim3A_430 = vector.broadcast %scan3A_47 : f32 to vector<16xf32>
        %select_n3A_431 = arith.select %eq3A_427, %abs3A_429, %broadcast_in_dim3A_430 : vector<16xi1>, vector<16xf32>
        %min3A_432 = vector.broadcast %scan3A_48 : f32 to vector<16xf32>
        %min3A_433 = arith.minimumf %select_n3A_431, %min3A_432 : vector<16xf32>
        %mul3A_434 = arith.constant 3.200000e+01 : f32
        %mul3A_435 = vector.broadcast %mul3A_434 : f32 to vector<16xf32>
        %mul3A_436 = arith.mulf %min3A_433, %mul3A_435 : vector<16xf32>
        %convert_element_type3A_437 = arith.fptosi %mul3A_436 : vector<16xf32> to vector<16xi32>
        %gt3A_438 = vector.broadcast %scan3A_47 : f32 to vector<16xf32>
        %gt3A_439 = arith.cmpf ogt, %select_n3A_431, %gt3A_438 : vector<16xf32>
        %and3A_440 = arith.andi %gt3A_439, %and3A_71 : vector<16xi1>
        %and3A_441 = vector.broadcast %lt3A_195 : i1 to vector<16xi1>
        %and3A_442 = arith.andi %and3A_440, %and3A_441 : vector<16xi1>
        %add3A_443 = arith.addf %select_n3A_431, %select_n3A_431 : vector<16xf32>
        %add3A_444 = arith.constant 5 : i32
        %add3A_445 = arith.addi %scan3A_171, %add3A_444 : i32
        %add3A_446 = arith.constant 1 : i32
        %add3A_447 = arith.addi %mul3A_57, %add3A_446 : i32
        %get3A_448 = arith.index_cast %add3A_445 : i32 to index
        %get3A_449 = arith.index_cast %add3A_447 : i32 to index
        %get3A_450 = tpu.vector_load %arg5[%get3A_448, %get3A_449] {strides = array<i32>} : memref<54x392xf32, #tpu.memory_space<vmem>>, vector<16xf32>,
        %add3A_451 = arith.constant 5 : i32
        %add3A_452 = arith.addi %scan3A_171, %add3A_451 : i32
        %add3A_453 = arith.constant 1 : i32
        %add3A_454 = arith.addi %mul3A_57, %add3A_453 : i32
        %get3A_455 = arith.index_cast %add3A_452 : i32 to index
        %get3A_456 = arith.index_cast %add3A_454 : i32 to index
        %get3A_457 = tpu.vector_load %arg6[%get3A_455, %get3A_456] {strides = array<i32>} : memref<54x392xf32, #tpu.memory_space<vmem>>, vector<16xf32>,
        %eq3A_458 = arith.cmpf oeq, %get3A_187, %get3A_457 : vector<16xf32>
        %sub3A_459 = arith.subf %get3A_180, %get3A_450 : vector<16xf32>
        %abs3A_460 = math.absf %sub3A_459 : vector<16xf32>
        %broadcast_in_dim3A_461 = vector.broadcast %scan3A_47 : f32 to vector<16xf32>
        %select_n3A_462 = arith.select %eq3A_458, %abs3A_460, %broadcast_in_dim3A_461 : vector<16xi1>, vector<16xf32>
        %min3A_463 = vector.broadcast %scan3A_48 : f32 to vector<16xf32>
        %min3A_464 = arith.minimumf %select_n3A_462, %min3A_463 : vector<16xf32>
        %mul3A_465 = arith.constant 3.200000e+01 : f32
        %mul3A_466 = vector.broadcast %mul3A_465 : f32 to vector<16xf32>
        %mul3A_467 = arith.mulf %min3A_464, %mul3A_466 : vector<16xf32>
        %convert_element_type3A_468 = arith.fptosi %mul3A_467 : vector<16xf32> to vector<16xi32>
        %gt3A_469 = vector.broadcast %scan3A_47 : f32 to vector<16xf32>
        %gt3A_470 = arith.cmpf ogt, %select_n3A_462, %gt3A_469 : vector<16xf32>
        %and3A_471 = arith.andi %gt3A_470, %and3A_84 : vector<16xi1>
        %and3A_472 = vector.broadcast %lt3A_195 : i1 to vector<16xi1>
        %and3A_473 = arith.andi %and3A_471, %and3A_472 : vector<16xi1>
        %add3A_474 = arith.addf %select_n3A_462, %select_n3A_462 : vector<16xf32>
        %add3A_475 = arith.constant 5 : i32
        %add3A_476 = arith.addi %scan3A_171, %add3A_475 : i32
        %add3A_477 = arith.constant 2 : i32
        %add3A_478 = arith.addi %mul3A_57, %add3A_477 : i32
        %get3A_479 = arith.index_cast %add3A_476 : i32 to index
        %get3A_480 = arith.index_cast %add3A_478 : i32 to index
        %get3A_481 = tpu.vector_load %arg5[%get3A_479, %get3A_480] {strides = array<i32>} : memref<54x392xf32, #tpu.memory_space<vmem>>, vector<16xf32>,
        %add3A_482 = arith.constant 5 : i32
        %add3A_483 = arith.addi %scan3A_171, %add3A_482 : i32
        %add3A_484 = arith.constant 2 : i32
        %add3A_485 = arith.addi %mul3A_57, %add3A_484 : i32
        %get3A_486 = arith.index_cast %add3A_483 : i32 to index
        %get3A_487 = arith.index_cast %add3A_485 : i32 to index
        %get3A_488 = tpu.vector_load %arg6[%get3A_486, %get3A_487] {strides = array<i32>} : memref<54x392xf32, #tpu.memory_space<vmem>>, vector<16xf32>,
        %eq3A_489 = arith.cmpf oeq, %get3A_187, %get3A_488 : vector<16xf32>
        %sub3A_490 = arith.subf %get3A_180, %get3A_481 : vector<16xf32>
        %abs3A_491 = math.absf %sub3A_490 : vector<16xf32>
        %broadcast_in_dim3A_492 = vector.broadcast %scan3A_47 : f32 to vector<16xf32>
        %select_n3A_493 = arith.select %eq3A_489, %abs3A_491, %broadcast_in_dim3A_492 : vector<16xi1>, vector<16xf32>
        %min3A_494 = vector.broadcast %scan3A_48 : f32 to vector<16xf32>
        %min3A_495 = arith.minimumf %select_n3A_493, %min3A_494 : vector<16xf32>
        %mul3A_496 = arith.constant 3.200000e+01 : f32
        %mul3A_497 = vector.broadcast %mul3A_496 : f32 to vector<16xf32>
        %mul3A_498 = arith.mulf %min3A_495, %mul3A_497 : vector<16xf32>
        %convert_element_type3A_499 = arith.fptosi %mul3A_498 : vector<16xf32> to vector<16xi32>
        %gt3A_500 = vector.broadcast %scan3A_47 : f32 to vector<16xf32>
        %gt3A_501 = arith.cmpf ogt, %select_n3A_493, %gt3A_500 : vector<16xf32>
        %and3A_502 = arith.andi %gt3A_501, %and3A_97 : vector<16xi1>
        %and3A_503 = vector.broadcast %lt3A_195 : i1 to vector<16xi1>
        %and3A_504 = arith.andi %and3A_502, %and3A_503 : vector<16xi1>
        %add3A_505 = arith.addf %select_n3A_493, %select_n3A_493 : vector<16xf32>
        %add3A_506 = arith.constant 5 : i32
        %add3A_507 = arith.addi %scan3A_171, %add3A_506 : i32
        %add3A_508 = arith.constant 3 : i32
        %add3A_509 = arith.addi %mul3A_57, %add3A_508 : i32
        %get3A_510 = arith.index_cast %add3A_507 : i32 to index
        %get3A_511 = arith.index_cast %add3A_509 : i32 to index
        %get3A_512 = tpu.vector_load %arg5[%get3A_510, %get3A_511] {strides = array<i32>} : memref<54x392xf32, #tpu.memory_space<vmem>>, vector<16xf32>,
        %add3A_513 = arith.constant 5 : i32
        %add3A_514 = arith.addi %scan3A_171, %add3A_513 : i32
        %add3A_515 = arith.constant 3 : i32
        %add3A_516 = arith.addi %mul3A_57, %add3A_515 : i32
        %get3A_517 = arith.index_cast %add3A_514 : i32 to index
        %get3A_518 = arith.index_cast %add3A_516 : i32 to index
        %get3A_519 = tpu.vector_load %arg6[%get3A_517, %get3A_518] {strides = array<i32>} : memref<54x392xf32, #tpu.memory_space<vmem>>, vector<16xf32>,
        %eq3A_520 = arith.cmpf oeq, %get3A_187, %get3A_519 : vector<16xf32>
        %sub3A_521 = arith.subf %get3A_180, %get3A_512 : vector<16xf32>
        %abs3A_522 = math.absf %sub3A_521 : vector<16xf32>
        %broadcast_in_dim3A_523 = vector.broadcast %scan3A_47 : f32 to vector<16xf32>
        %select_n3A_524 = arith.select %eq3A_520, %abs3A_522, %broadcast_in_dim3A_523 : vector<16xi1>, vector<16xf32>
        %min3A_525 = vector.broadcast %scan3A_48 : f32 to vector<16xf32>
        %min3A_526 = arith.minimumf %select_n3A_524, %min3A_525 : vector<16xf32>
        %mul3A_527 = arith.constant 3.200000e+01 : f32
        %mul3A_528 = vector.broadcast %mul3A_527 : f32 to vector<16xf32>
        %mul3A_529 = arith.mulf %min3A_526, %mul3A_528 : vector<16xf32>
        %convert_element_type3A_530 = arith.fptosi %mul3A_529 : vector<16xf32> to vector<16xi32>
        %gt3A_531 = vector.broadcast %scan3A_47 : f32 to vector<16xf32>
        %gt3A_532 = arith.cmpf ogt, %select_n3A_524, %gt3A_531 : vector<16xf32>
        %and3A_533 = arith.andi %gt3A_532, %and3A_110 : vector<16xi1>
        %and3A_534 = vector.broadcast %lt3A_195 : i1 to vector<16xi1>
        %and3A_535 = arith.andi %and3A_533, %and3A_534 : vector<16xi1>
        %add3A_536 = arith.addf %select_n3A_524, %select_n3A_524 : vector<16xf32>
        %add3A_537 = arith.constant 5 : i32
        %add3A_538 = arith.addi %scan3A_171, %add3A_537 : i32
        %add3A_539 = arith.constant 4 : i32
        %add3A_540 = arith.addi %mul3A_57, %add3A_539 : i32
        %get3A_541 = arith.index_cast %add3A_538 : i32 to index
        %get3A_542 = arith.index_cast %add3A_540 : i32 to index
        %get3A_543 = tpu.vector_load %arg5[%get3A_541, %get3A_542] {strides = array<i32>} : memref<54x392xf32, #tpu.memory_space<vmem>>, vector<16xf32>,
        %add3A_544 = arith.constant 5 : i32
        %add3A_545 = arith.addi %scan3A_171, %add3A_544 : i32
        %add3A_546 = arith.constant 4 : i32
        %add3A_547 = arith.addi %mul3A_57, %add3A_546 : i32
        %get3A_548 = arith.index_cast %add3A_545 : i32 to index
        %get3A_549 = arith.index_cast %add3A_547 : i32 to index
        %get3A_550 = tpu.vector_load %arg6[%get3A_548, %get3A_549] {strides = array<i32>} : memref<54x392xf32, #tpu.memory_space<vmem>>, vector<16xf32>,
        %eq3A_551 = arith.cmpf oeq, %get3A_187, %get3A_550 : vector<16xf32>
        %sub3A_552 = arith.subf %get3A_180, %get3A_543 : vector<16xf32>
        %abs3A_553 = math.absf %sub3A_552 : vector<16xf32>
        %broadcast_in_dim3A_554 = vector.broadcast %scan3A_47 : f32 to vector<16xf32>
        %select_n3A_555 = arith.select %eq3A_551, %abs3A_553, %broadcast_in_dim3A_554 : vector<16xi1>, vector<16xf32>
        %min3A_556 = vector.broadcast %scan3A_48 : f32 to vector<16xf32>
        %min3A_557 = arith.minimumf %select_n3A_555, %min3A_556 : vector<16xf32>
        %mul3A_558 = arith.constant 3.200000e+01 : f32
        %mul3A_559 = vector.broadcast %mul3A_558 : f32 to vector<16xf32>
        %mul3A_560 = arith.mulf %min3A_557, %mul3A_559 : vector<16xf32>
        %convert_element_type3A_561 = arith.fptosi %mul3A_560 : vector<16xf32> to vector<16xi32>
        %gt3A_562 = vector.broadcast %scan3A_47 : f32 to vector<16xf32>
        %gt3A_563 = arith.cmpf ogt, %select_n3A_555, %gt3A_562 : vector<16xf32>
        %and3A_564 = arith.andi %gt3A_563, %and3A_123 : vector<16xi1>
        %and3A_565 = vector.broadcast %lt3A_195 : i1 to vector<16xi1>
        %and3A_566 = arith.andi %and3A_564, %and3A_565 : vector<16xi1>
        %add3A_567 = arith.addf %select_n3A_555, %select_n3A_555 : vector<16xf32>
        tpu.vector_store_idx %arg7[%convert_element_type3A], %broadcast_in_dim3A_45 masked %and3A_225 {add = true} : memref<2048xf32, #tpu.memory_space<vmem>>[vector<16xi32>], vector<16xf32>, vector<16xi1>
        tpu.vector_store_idx %arg8[%convert_element_type3A], %add3A_226 masked %and3A_225 {add = true} : memref<2048xf32, #tpu.memory_space<vmem>>[vector<16xi32>], vector<16xf32>, vector<16xi1>
        tpu.vector_store_idx %arg7[%convert_element_type3A_251], %broadcast_in_dim3A_45 masked %and3A_256 {add = true} : memref<2048xf32, #tpu.memory_space<vmem>>[vector<16xi32>], vector<16xf32>, vector<16xi1>
        tpu.vector_store_idx %arg8[%convert_element_type3A_251], %add3A_257 masked %and3A_256 {add = true} : memref<2048xf32, #tpu.memory_space<vmem>>[vector<16xi32>], vector<16xf32>, vector<16xi1>
        tpu.vector_store_idx %arg7[%convert_element_type3A_282], %broadcast_in_dim3A_45 masked %and3A_287 {add = true} : memref<2048xf32, #tpu.memory_space<vmem>>[vector<16xi32>], vector<16xf32>, vector<16xi1>
        tpu.vector_store_idx %arg8[%convert_element_type3A_282], %add3A_288 masked %and3A_287 {add = true} : memref<2048xf32, #tpu.memory_space<vmem>>[vector<16xi32>], vector<16xf32>, vector<16xi1>
        tpu.vector_store_idx %arg7[%convert_element_type3A_313], %broadcast_in_dim3A_45 masked %and3A_318 {add = true} : memref<2048xf32, #tpu.memory_space<vmem>>[vector<16xi32>], vector<16xf32>, vector<16xi1>
        tpu.vector_store_idx %arg8[%convert_element_type3A_313], %add3A_319 masked %and3A_318 {add = true} : memref<2048xf32, #tpu.memory_space<vmem>>[vector<16xi32>], vector<16xf32>, vector<16xi1>
        tpu.vector_store_idx %arg7[%convert_element_type3A_344], %broadcast_in_dim3A_45 masked %and3A_349 {add = true} : memref<2048xf32, #tpu.memory_space<vmem>>[vector<16xi32>], vector<16xf32>, vector<16xi1>
        tpu.vector_store_idx %arg8[%convert_element_type3A_344], %add3A_350 masked %and3A_349 {add = true} : memref<2048xf32, #tpu.memory_space<vmem>>[vector<16xi32>], vector<16xf32>, vector<16xi1>
        tpu.vector_store_idx %arg7[%convert_element_type3A_375], %broadcast_in_dim3A_45 masked %and3A_380 {add = true} : memref<2048xf32, #tpu.memory_space<vmem>>[vector<16xi32>], vector<16xf32>, vector<16xi1>
        tpu.vector_store_idx %arg8[%convert_element_type3A_375], %add3A_381 masked %and3A_380 {add = true} : memref<2048xf32, #tpu.memory_space<vmem>>[vector<16xi32>], vector<16xf32>, vector<16xi1>
        tpu.vector_store_idx %arg7[%convert_element_type3A_406], %broadcast_in_dim3A_45 masked %and3A_411 {add = true} : memref<2048xf32, #tpu.memory_space<vmem>>[vector<16xi32>], vector<16xf32>, vector<16xi1>
        tpu.vector_store_idx %arg8[%convert_element_type3A_406], %add3A_412 masked %and3A_411 {add = true} : memref<2048xf32, #tpu.memory_space<vmem>>[vector<16xi32>], vector<16xf32>, vector<16xi1>
        tpu.vector_store_idx %arg7[%convert_element_type3A_437], %broadcast_in_dim3A_45 masked %and3A_442 {add = true} : memref<2048xf32, #tpu.memory_space<vmem>>[vector<16xi32>], vector<16xf32>, vector<16xi1>
        tpu.vector_store_idx %arg8[%convert_element_type3A_437], %add3A_443 masked %and3A_442 {add = true} : memref<2048xf32, #tpu.memory_space<vmem>>[vector<16xi32>], vector<16xf32>, vector<16xi1>
        tpu.vector_store_idx %arg7[%convert_element_type3A_468], %broadcast_in_dim3A_45 masked %and3A_473 {add = true} : memref<2048xf32, #tpu.memory_space<vmem>>[vector<16xi32>], vector<16xf32>, vector<16xi1>
        tpu.vector_store_idx %arg8[%convert_element_type3A_468], %add3A_474 masked %and3A_473 {add = true} : memref<2048xf32, #tpu.memory_space<vmem>>[vector<16xi32>], vector<16xf32>, vector<16xi1>
        tpu.vector_store_idx %arg7[%convert_element_type3A_499], %broadcast_in_dim3A_45 masked %and3A_504 {add = true} : memref<2048xf32, #tpu.memory_space<vmem>>[vector<16xi32>], vector<16xf32>, vector<16xi1>
        tpu.vector_store_idx %arg8[%convert_element_type3A_499], %add3A_505 masked %and3A_504 {add = true} : memref<2048xf32, #tpu.memory_space<vmem>>[vector<16xi32>], vector<16xf32>, vector<16xi1>
        tpu.vector_store_idx %arg7[%convert_element_type3A_530], %broadcast_in_dim3A_45 masked %and3A_535 {add = true} : memref<2048xf32, #tpu.memory_space<vmem>>[vector<16xi32>], vector<16xf32>, vector<16xi1>
        tpu.vector_store_idx %arg8[%convert_element_type3A_530], %add3A_536 masked %and3A_535 {add = true} : memref<2048xf32, #tpu.memory_space<vmem>>[vector<16xi32>], vector<16xf32>, vector<16xi1>
        tpu.vector_store_idx %arg7[%convert_element_type3A_561], %broadcast_in_dim3A_45 masked %and3A_566 {add = true} : memref<2048xf32, #tpu.memory_space<vmem>>[vector<16xi32>], vector<16xf32>, vector<16xi1>
        tpu.vector_store_idx %arg8[%convert_element_type3A_561], %add3A_567 masked %and3A_566 {add = true} : memref<2048xf32, #tpu.memory_space<vmem>>[vector<16xi32>], vector<16xf32>, vector<16xi1>
        %add3A_568 = arith.constant 5 : i32
        %add3A_569 = arith.addi %scan3A_171, %add3A_568 : i32
        %add3A_570 = arith.constant 5 : i32
        %add3A_571 = arith.addi %mul3A_57, %add3A_570 : i32
        %get3A_572 = arith.index_cast %add3A_569 : i32 to index
        %get3A_573 = arith.index_cast %add3A_571 : i32 to index
        %get3A_574 = tpu.vector_load %arg5[%get3A_572, %get3A_573] {strides = array<i32>} : memref<54x392xf32, #tpu.memory_space<vmem>>, vector<16xf32>,
        %add3A_575 = arith.constant 5 : i32
        %add3A_576 = arith.addi %scan3A_171, %add3A_575 : i32
        %add3A_577 = arith.constant 5 : i32
        %add3A_578 = arith.addi %mul3A_57, %add3A_577 : i32
        %get3A_579 = arith.index_cast %add3A_576 : i32 to index
        %get3A_580 = arith.index_cast %add3A_578 : i32 to index
        %get3A_581 = tpu.vector_load %arg6[%get3A_579, %get3A_580] {strides = array<i32>} : memref<54x392xf32, #tpu.memory_space<vmem>>, vector<16xf32>,
        %eq3A_582 = arith.cmpf oeq, %get3A_187, %get3A_581 : vector<16xf32>
        %sub3A_583 = arith.subf %get3A_180, %get3A_574 : vector<16xf32>
        %abs3A_584 = math.absf %sub3A_583 : vector<16xf32>
        %broadcast_in_dim3A_585 = vector.broadcast %scan3A_47 : f32 to vector<16xf32>
        %select_n3A_586 = arith.select %eq3A_582, %abs3A_584, %broadcast_in_dim3A_585 : vector<16xi1>, vector<16xf32>
        %min3A_587 = vector.broadcast %scan3A_48 : f32 to vector<16xf32>
        %min3A_588 = arith.minimumf %select_n3A_586, %min3A_587 : vector<16xf32>
        %mul3A_589 = arith.constant 3.200000e+01 : f32
        %mul3A_590 = vector.broadcast %mul3A_589 : f32 to vector<16xf32>
        %mul3A_591 = arith.mulf %min3A_588, %mul3A_590 : vector<16xf32>
        %convert_element_type3A_592 = arith.fptosi %mul3A_591 : vector<16xf32> to vector<16xi32>
        %gt3A_593 = vector.broadcast %scan3A_47 : f32 to vector<16xf32>
        %gt3A_594 = arith.cmpf ogt, %select_n3A_586, %gt3A_593 : vector<16xf32>
        %and3A_595 = arith.andi %gt3A_594, %and3A_136 : vector<16xi1>
        %and3A_596 = vector.broadcast %lt3A_195 : i1 to vector<16xi1>
        %and3A_597 = arith.andi %and3A_595, %and3A_596 : vector<16xi1>
        %add3A_598 = arith.addf %select_n3A_586, %select_n3A_586 : vector<16xf32>
        %add3A_599 = arith.constant 5 : i32
        %add3A_600 = arith.addi %scan3A_171, %add3A_599 : i32
        %add3A_601 = arith.constant 6 : i32
        %add3A_602 = arith.addi %mul3A_57, %add3A_601 : i32
        %get3A_603 = arith.index_cast %add3A_600 : i32 to index
        %get3A_604 = arith.index_cast %add3A_602 : i32 to index
        %get3A_605 = tpu.vector_load %arg5[%get3A_603, %get3A_604] {strides = array<i32>} : memref<54x392xf32, #tpu.memory_space<vmem>>, vector<16xf32>,
        %add3A_606 = arith.constant 5 : i32
        %add3A_607 = arith.addi %scan3A_171, %add3A_606 : i32
        %add3A_608 = arith.constant 6 : i32
        %add3A_609 = arith.addi %mul3A_57, %add3A_608 : i32
        %get3A_610 = arith.index_cast %add3A_607 : i32 to index
        %get3A_611 = arith.index_cast %add3A_609 : i32 to index
        %get3A_612 = tpu.vector_load %arg6[%get3A_610, %get3A_611] {strides = array<i32>} : memref<54x392xf32, #tpu.memory_space<vmem>>, vector<16xf32>,
        %eq3A_613 = arith.cmpf oeq, %get3A_187, %get3A_612 : vector<16xf32>
        %sub3A_614 = arith.subf %get3A_180, %get3A_605 : vector<16xf32>
        %abs3A_615 = math.absf %sub3A_614 : vector<16xf32>
        %broadcast_in_dim3A_616 = vector.broadcast %scan3A_47 : f32 to vector<16xf32>
        %select_n3A_617 = arith.select %eq3A_613, %abs3A_615, %broadcast_in_dim3A_616 : vector<16xi1>, vector<16xf32>
        %min3A_618 = vector.broadcast %scan3A_48 : f32 to vector<16xf32>
        %min3A_619 = arith.minimumf %select_n3A_617, %min3A_618 : vector<16xf32>
        %mul3A_620 = arith.constant 3.200000e+01 : f32
        %mul3A_621 = vector.broadcast %mul3A_620 : f32 to vector<16xf32>
        %mul3A_622 = arith.mulf %min3A_619, %mul3A_621 : vector<16xf32>
        %convert_element_type3A_623 = arith.fptosi %mul3A_622 : vector<16xf32> to vector<16xi32>
        %gt3A_624 = vector.broadcast %scan3A_47 : f32 to vector<16xf32>
        %gt3A_625 = arith.cmpf ogt, %select_n3A_617, %gt3A_624 : vector<16xf32>
        %and3A_626 = arith.andi %gt3A_625, %and3A_149 : vector<16xi1>
        %and3A_627 = vector.broadcast %lt3A_195 : i1 to vector<16xi1>
        %and3A_628 = arith.andi %and3A_626, %and3A_627 : vector<16xi1>
        %add3A_629 = arith.addf %select_n3A_617, %select_n3A_617 : vector<16xf32>
        %add3A_630 = arith.constant 6 : i32
        %add3A_631 = arith.addi %scan3A_171, %add3A_630 : i32
        %add3A_632 = arith.constant 0 : i32
        %add3A_633 = arith.addi %mul3A_57, %add3A_632 : i32
        %get3A_634 = arith.index_cast %add3A_631 : i32 to index
        %get3A_635 = arith.index_cast %add3A_633 : i32 to index
        %get3A_636 = tpu.vector_load %arg5[%get3A_634, %get3A_635] {strides = array<i32>} : memref<54x392xf32, #tpu.memory_space<vmem>>, vector<16xf32>,
        %add3A_637 = arith.constant 6 : i32
        %add3A_638 = arith.addi %scan3A_171, %add3A_637 : i32
        %add3A_639 = arith.constant 0 : i32
        %add3A_640 = arith.addi %mul3A_57, %add3A_639 : i32
        %get3A_641 = arith.index_cast %add3A_638 : i32 to index
        %get3A_642 = arith.index_cast %add3A_640 : i32 to index
        %get3A_643 = tpu.vector_load %arg6[%get3A_641, %get3A_642] {strides = array<i32>} : memref<54x392xf32, #tpu.memory_space<vmem>>, vector<16xf32>,
        %eq3A_644 = arith.cmpf oeq, %get3A_187, %get3A_643 : vector<16xf32>
        %sub3A_645 = arith.subf %get3A_180, %get3A_636 : vector<16xf32>
        %abs3A_646 = math.absf %sub3A_645 : vector<16xf32>
        %broadcast_in_dim3A_647 = vector.broadcast %scan3A_47 : f32 to vector<16xf32>
        %select_n3A_648 = arith.select %eq3A_644, %abs3A_646, %broadcast_in_dim3A_647 : vector<16xi1>, vector<16xf32>
        %min3A_649 = vector.broadcast %scan3A_48 : f32 to vector<16xf32>
        %min3A_650 = arith.minimumf %select_n3A_648, %min3A_649 : vector<16xf32>
        %mul3A_651 = arith.constant 3.200000e+01 : f32
        %mul3A_652 = vector.broadcast %mul3A_651 : f32 to vector<16xf32>
        %mul3A_653 = arith.mulf %min3A_650, %mul3A_652 : vector<16xf32>
        %convert_element_type3A_654 = arith.fptosi %mul3A_653 : vector<16xf32> to vector<16xi32>
        %gt3A_655 = vector.broadcast %scan3A_47 : f32 to vector<16xf32>
        %gt3A_656 = arith.cmpf ogt, %select_n3A_648, %gt3A_655 : vector<16xf32>
        %and3A_657 = arith.andi %gt3A_656, %and3A_71 : vector<16xi1>
        %and3A_658 = vector.broadcast %lt3A_199 : i1 to vector<16xi1>
        %and3A_659 = arith.andi %and3A_657, %and3A_658 : vector<16xi1>
        %add3A_660 = arith.addf %select_n3A_648, %select_n3A_648 : vector<16xf32>
        %add3A_661 = arith.constant 6 : i32
        %add3A_662 = arith.addi %scan3A_171, %add3A_661 : i32
        %add3A_663 = arith.constant 1 : i32
        %add3A_664 = arith.addi %mul3A_57, %add3A_663 : i32
        %get3A_665 = arith.index_cast %add3A_662 : i32 to index
        %get3A_666 = arith.index_cast %add3A_664 : i32 to index
        %get3A_667 = tpu.vector_load %arg5[%get3A_665, %get3A_666] {strides = array<i32>} : memref<54x392xf32, #tpu.memory_space<vmem>>, vector<16xf32>,
        %add3A_668 = arith.constant 6 : i32
        %add3A_669 = arith.addi %scan3A_171, %add3A_668 : i32
        %add3A_670 = arith.constant 1 : i32
        %add3A_671 = arith.addi %mul3A_57, %add3A_670 : i32
        %get3A_672 = arith.index_cast %add3A_669 : i32 to index
        %get3A_673 = arith.index_cast %add3A_671 : i32 to index
        %get3A_674 = tpu.vector_load %arg6[%get3A_672, %get3A_673] {strides = array<i32>} : memref<54x392xf32, #tpu.memory_space<vmem>>, vector<16xf32>,
        %eq3A_675 = arith.cmpf oeq, %get3A_187, %get3A_674 : vector<16xf32>
        %sub3A_676 = arith.subf %get3A_180, %get3A_667 : vector<16xf32>
        %abs3A_677 = math.absf %sub3A_676 : vector<16xf32>
        %broadcast_in_dim3A_678 = vector.broadcast %scan3A_47 : f32 to vector<16xf32>
        %select_n3A_679 = arith.select %eq3A_675, %abs3A_677, %broadcast_in_dim3A_678 : vector<16xi1>, vector<16xf32>
        %min3A_680 = vector.broadcast %scan3A_48 : f32 to vector<16xf32>
        %min3A_681 = arith.minimumf %select_n3A_679, %min3A_680 : vector<16xf32>
        %mul3A_682 = arith.constant 3.200000e+01 : f32
        %mul3A_683 = vector.broadcast %mul3A_682 : f32 to vector<16xf32>
        %mul3A_684 = arith.mulf %min3A_681, %mul3A_683 : vector<16xf32>
        %convert_element_type3A_685 = arith.fptosi %mul3A_684 : vector<16xf32> to vector<16xi32>
        %gt3A_686 = vector.broadcast %scan3A_47 : f32 to vector<16xf32>
        %gt3A_687 = arith.cmpf ogt, %select_n3A_679, %gt3A_686 : vector<16xf32>
        %and3A_688 = arith.andi %gt3A_687, %and3A_84 : vector<16xi1>
        %and3A_689 = vector.broadcast %lt3A_199 : i1 to vector<16xi1>
        %and3A_690 = arith.andi %and3A_688, %and3A_689 : vector<16xi1>
        %add3A_691 = arith.addf %select_n3A_679, %select_n3A_679 : vector<16xf32>
        %add3A_692 = arith.constant 6 : i32
        %add3A_693 = arith.addi %scan3A_171, %add3A_692 : i32
        %add3A_694 = arith.constant 2 : i32
        %add3A_695 = arith.addi %mul3A_57, %add3A_694 : i32
        %get3A_696 = arith.index_cast %add3A_693 : i32 to index
        %get3A_697 = arith.index_cast %add3A_695 : i32 to index
        %get3A_698 = tpu.vector_load %arg5[%get3A_696, %get3A_697] {strides = array<i32>} : memref<54x392xf32, #tpu.memory_space<vmem>>, vector<16xf32>,
        %add3A_699 = arith.constant 6 : i32
        %add3A_700 = arith.addi %scan3A_171, %add3A_699 : i32
        %add3A_701 = arith.constant 2 : i32
        %add3A_702 = arith.addi %mul3A_57, %add3A_701 : i32
        %get3A_703 = arith.index_cast %add3A_700 : i32 to index
        %get3A_704 = arith.index_cast %add3A_702 : i32 to index
        %get3A_705 = tpu.vector_load %arg6[%get3A_703, %get3A_704] {strides = array<i32>} : memref<54x392xf32, #tpu.memory_space<vmem>>, vector<16xf32>,
        %eq3A_706 = arith.cmpf oeq, %get3A_187, %get3A_705 : vector<16xf32>
        %sub3A_707 = arith.subf %get3A_180, %get3A_698 : vector<16xf32>
        %abs3A_708 = math.absf %sub3A_707 : vector<16xf32>
        %broadcast_in_dim3A_709 = vector.broadcast %scan3A_47 : f32 to vector<16xf32>
        %select_n3A_710 = arith.select %eq3A_706, %abs3A_708, %broadcast_in_dim3A_709 : vector<16xi1>, vector<16xf32>
        %min3A_711 = vector.broadcast %scan3A_48 : f32 to vector<16xf32>
        %min3A_712 = arith.minimumf %select_n3A_710, %min3A_711 : vector<16xf32>
        %mul3A_713 = arith.constant 3.200000e+01 : f32
        %mul3A_714 = vector.broadcast %mul3A_713 : f32 to vector<16xf32>
        %mul3A_715 = arith.mulf %min3A_712, %mul3A_714 : vector<16xf32>
        %convert_element_type3A_716 = arith.fptosi %mul3A_715 : vector<16xf32> to vector<16xi32>
        %gt3A_717 = vector.broadcast %scan3A_47 : f32 to vector<16xf32>
        %gt3A_718 = arith.cmpf ogt, %select_n3A_710, %gt3A_717 : vector<16xf32>
        %and3A_719 = arith.andi %gt3A_718, %and3A_97 : vector<16xi1>
        %and3A_720 = vector.broadcast %lt3A_199 : i1 to vector<16xi1>
        %and3A_721 = arith.andi %and3A_719, %and3A_720 : vector<16xi1>
        %add3A_722 = arith.addf %select_n3A_710, %select_n3A_710 : vector<16xf32>
        %add3A_723 = arith.constant 6 : i32
        %add3A_724 = arith.addi %scan3A_171, %add3A_723 : i32
        %add3A_725 = arith.constant 3 : i32
        %add3A_726 = arith.addi %mul3A_57, %add3A_725 : i32
        %get3A_727 = arith.index_cast %add3A_724 : i32 to index
        %get3A_728 = arith.index_cast %add3A_726 : i32 to index
        %get3A_729 = tpu.vector_load %arg5[%get3A_727, %get3A_728] {strides = array<i32>} : memref<54x392xf32, #tpu.memory_space<vmem>>, vector<16xf32>,
        %add3A_730 = arith.constant 6 : i32
        %add3A_731 = arith.addi %scan3A_171, %add3A_730 : i32
        %add3A_732 = arith.constant 3 : i32
        %add3A_733 = arith.addi %mul3A_57, %add3A_732 : i32
        %get3A_734 = arith.index_cast %add3A_731 : i32 to index
        %get3A_735 = arith.index_cast %add3A_733 : i32 to index
        %get3A_736 = tpu.vector_load %arg6[%get3A_734, %get3A_735] {strides = array<i32>} : memref<54x392xf32, #tpu.memory_space<vmem>>, vector<16xf32>,
        %eq3A_737 = arith.cmpf oeq, %get3A_187, %get3A_736 : vector<16xf32>
        %sub3A_738 = arith.subf %get3A_180, %get3A_729 : vector<16xf32>
        %abs3A_739 = math.absf %sub3A_738 : vector<16xf32>
        %broadcast_in_dim3A_740 = vector.broadcast %scan3A_47 : f32 to vector<16xf32>
        %select_n3A_741 = arith.select %eq3A_737, %abs3A_739, %broadcast_in_dim3A_740 : vector<16xi1>, vector<16xf32>
        %min3A_742 = vector.broadcast %scan3A_48 : f32 to vector<16xf32>
        %min3A_743 = arith.minimumf %select_n3A_741, %min3A_742 : vector<16xf32>
        %mul3A_744 = arith.constant 3.200000e+01 : f32
        %mul3A_745 = vector.broadcast %mul3A_744 : f32 to vector<16xf32>
        %mul3A_746 = arith.mulf %min3A_743, %mul3A_745 : vector<16xf32>
        %convert_element_type3A_747 = arith.fptosi %mul3A_746 : vector<16xf32> to vector<16xi32>
        %gt3A_748 = vector.broadcast %scan3A_47 : f32 to vector<16xf32>
        %gt3A_749 = arith.cmpf ogt, %select_n3A_741, %gt3A_748 : vector<16xf32>
        %and3A_750 = arith.andi %gt3A_749, %and3A_110 : vector<16xi1>
        %and3A_751 = vector.broadcast %lt3A_199 : i1 to vector<16xi1>
        %and3A_752 = arith.andi %and3A_750, %and3A_751 : vector<16xi1>
        %add3A_753 = arith.addf %select_n3A_741, %select_n3A_741 : vector<16xf32>
        %add3A_754 = arith.constant 6 : i32
        %add3A_755 = arith.addi %scan3A_171, %add3A_754 : i32
        %add3A_756 = arith.constant 4 : i32
        %add3A_757 = arith.addi %mul3A_57, %add3A_756 : i32
        %get3A_758 = arith.index_cast %add3A_755 : i32 to index
        %get3A_759 = arith.index_cast %add3A_757 : i32 to index
        %get3A_760 = tpu.vector_load %arg5[%get3A_758, %get3A_759] {strides = array<i32>} : memref<54x392xf32, #tpu.memory_space<vmem>>, vector<16xf32>,
        %add3A_761 = arith.constant 6 : i32
        %add3A_762 = arith.addi %scan3A_171, %add3A_761 : i32
        %add3A_763 = arith.constant 4 : i32
        %add3A_764 = arith.addi %mul3A_57, %add3A_763 : i32
        %get3A_765 = arith.index_cast %add3A_762 : i32 to index
        %get3A_766 = arith.index_cast %add3A_764 : i32 to index
        %get3A_767 = tpu.vector_load %arg6[%get3A_765, %get3A_766] {strides = array<i32>} : memref<54x392xf32, #tpu.memory_space<vmem>>, vector<16xf32>,
        %eq3A_768 = arith.cmpf oeq, %get3A_187, %get3A_767 : vector<16xf32>
        %sub3A_769 = arith.subf %get3A_180, %get3A_760 : vector<16xf32>
        %abs3A_770 = math.absf %sub3A_769 : vector<16xf32>
        %broadcast_in_dim3A_771 = vector.broadcast %scan3A_47 : f32 to vector<16xf32>
        %select_n3A_772 = arith.select %eq3A_768, %abs3A_770, %broadcast_in_dim3A_771 : vector<16xi1>, vector<16xf32>
        %min3A_773 = vector.broadcast %scan3A_48 : f32 to vector<16xf32>
        %min3A_774 = arith.minimumf %select_n3A_772, %min3A_773 : vector<16xf32>
        %mul3A_775 = arith.constant 3.200000e+01 : f32
        %mul3A_776 = vector.broadcast %mul3A_775 : f32 to vector<16xf32>
        %mul3A_777 = arith.mulf %min3A_774, %mul3A_776 : vector<16xf32>
        %convert_element_type3A_778 = arith.fptosi %mul3A_777 : vector<16xf32> to vector<16xi32>
        %gt3A_779 = vector.broadcast %scan3A_47 : f32 to vector<16xf32>
        %gt3A_780 = arith.cmpf ogt, %select_n3A_772, %gt3A_779 : vector<16xf32>
        %and3A_781 = arith.andi %gt3A_780, %and3A_123 : vector<16xi1>
        %and3A_782 = vector.broadcast %lt3A_199 : i1 to vector<16xi1>
        %and3A_783 = arith.andi %and3A_781, %and3A_782 : vector<16xi1>
        %add3A_784 = arith.addf %select_n3A_772, %select_n3A_772 : vector<16xf32>
        %add3A_785 = arith.constant 6 : i32
        %add3A_786 = arith.addi %scan3A_171, %add3A_785 : i32
        %add3A_787 = arith.constant 5 : i32
        %add3A_788 = arith.addi %mul3A_57, %add3A_787 : i32
        %get3A_789 = arith.index_cast %add3A_786 : i32 to index
        %get3A_790 = arith.index_cast %add3A_788 : i32 to index
        %get3A_791 = tpu.vector_load %arg5[%get3A_789, %get3A_790] {strides = array<i32>} : memref<54x392xf32, #tpu.memory_space<vmem>>, vector<16xf32>,
        %add3A_792 = arith.constant 6 : i32
        %add3A_793 = arith.addi %scan3A_171, %add3A_792 : i32
        %add3A_794 = arith.constant 5 : i32
        %add3A_795 = arith.addi %mul3A_57, %add3A_794 : i32
        %get3A_796 = arith.index_cast %add3A_793 : i32 to index
        %get3A_797 = arith.index_cast %add3A_795 : i32 to index
        %get3A_798 = tpu.vector_load %arg6[%get3A_796, %get3A_797] {strides = array<i32>} : memref<54x392xf32, #tpu.memory_space<vmem>>, vector<16xf32>,
        %eq3A_799 = arith.cmpf oeq, %get3A_187, %get3A_798 : vector<16xf32>
        %sub3A_800 = arith.subf %get3A_180, %get3A_791 : vector<16xf32>
        %abs3A_801 = math.absf %sub3A_800 : vector<16xf32>
        %broadcast_in_dim3A_802 = vector.broadcast %scan3A_47 : f32 to vector<16xf32>
        %select_n3A_803 = arith.select %eq3A_799, %abs3A_801, %broadcast_in_dim3A_802 : vector<16xi1>, vector<16xf32>
        %min3A_804 = vector.broadcast %scan3A_48 : f32 to vector<16xf32>
        %min3A_805 = arith.minimumf %select_n3A_803, %min3A_804 : vector<16xf32>
        %mul3A_806 = arith.constant 3.200000e+01 : f32
        %mul3A_807 = vector.broadcast %mul3A_806 : f32 to vector<16xf32>
        %mul3A_808 = arith.mulf %min3A_805, %mul3A_807 : vector<16xf32>
        %convert_element_type3A_809 = arith.fptosi %mul3A_808 : vector<16xf32> to vector<16xi32>
        %gt3A_810 = vector.broadcast %scan3A_47 : f32 to vector<16xf32>
        %gt3A_811 = arith.cmpf ogt, %select_n3A_803, %gt3A_810 : vector<16xf32>
        %and3A_812 = arith.andi %gt3A_811, %and3A_136 : vector<16xi1>
        %and3A_813 = vector.broadcast %lt3A_199 : i1 to vector<16xi1>
        %and3A_814 = arith.andi %and3A_812, %and3A_813 : vector<16xi1>
        %add3A_815 = arith.addf %select_n3A_803, %select_n3A_803 : vector<16xf32>
        %add3A_816 = arith.constant 6 : i32
        %add3A_817 = arith.addi %scan3A_171, %add3A_816 : i32
        %add3A_818 = arith.constant 6 : i32
        %add3A_819 = arith.addi %mul3A_57, %add3A_818 : i32
        %get3A_820 = arith.index_cast %add3A_817 : i32 to index
        %get3A_821 = arith.index_cast %add3A_819 : i32 to index
        %get3A_822 = tpu.vector_load %arg5[%get3A_820, %get3A_821] {strides = array<i32>} : memref<54x392xf32, #tpu.memory_space<vmem>>, vector<16xf32>,
        %add3A_823 = arith.constant 6 : i32
        %add3A_824 = arith.addi %scan3A_171, %add3A_823 : i32
        %add3A_825 = arith.constant 6 : i32
        %add3A_826 = arith.addi %mul3A_57, %add3A_825 : i32
        %get3A_827 = arith.index_cast %add3A_824 : i32 to index
        %get3A_828 = arith.index_cast %add3A_826 : i32 to index
        %get3A_829 = tpu.vector_load %arg6[%get3A_827, %get3A_828] {strides = array<i32>} : memref<54x392xf32, #tpu.memory_space<vmem>>, vector<16xf32>,
        %eq3A_830 = arith.cmpf oeq, %get3A_187, %get3A_829 : vector<16xf32>
        %sub3A_831 = arith.subf %get3A_180, %get3A_822 : vector<16xf32>
        %abs3A_832 = math.absf %sub3A_831 : vector<16xf32>
        %broadcast_in_dim3A_833 = vector.broadcast %scan3A_47 : f32 to vector<16xf32>
        %select_n3A_834 = arith.select %eq3A_830, %abs3A_832, %broadcast_in_dim3A_833 : vector<16xi1>, vector<16xf32>
        %min3A_835 = vector.broadcast %scan3A_48 : f32 to vector<16xf32>
        %min3A_836 = arith.minimumf %select_n3A_834, %min3A_835 : vector<16xf32>
        %mul3A_837 = arith.constant 3.200000e+01 : f32
        %mul3A_838 = vector.broadcast %mul3A_837 : f32 to vector<16xf32>
        %mul3A_839 = arith.mulf %min3A_836, %mul3A_838 : vector<16xf32>
        %convert_element_type3A_840 = arith.fptosi %mul3A_839 : vector<16xf32> to vector<16xi32>
        %gt3A_841 = vector.broadcast %scan3A_47 : f32 to vector<16xf32>
        %gt3A_842 = arith.cmpf ogt, %select_n3A_834, %gt3A_841 : vector<16xf32>
        %and3A_843 = arith.andi %gt3A_842, %and3A_149 : vector<16xi1>
        %and3A_844 = vector.broadcast %lt3A_199 : i1 to vector<16xi1>
        %and3A_845 = arith.andi %and3A_843, %and3A_844 : vector<16xi1>
        %add3A_846 = arith.addf %select_n3A_834, %select_n3A_834 : vector<16xf32>
        %add3A_847 = arith.constant 3 : i32
        %add3A_848 = arith.addi %scan3A_171, %add3A_847 : i32
        %add3A_849 = arith.constant 4 : i32
        %add3A_850 = arith.addi %mul3A_57, %add3A_849 : i32
        %get3A_851 = arith.index_cast %add3A_848 : i32 to index
        %get3A_852 = arith.index_cast %add3A_850 : i32 to index
        %get3A_853 = tpu.vector_load %arg5[%get3A_851, %get3A_852] {strides = array<i32>} : memref<54x392xf32, #tpu.memory_space<vmem>>, vector<16xf32>,
        %add3A_854 = arith.constant 3 : i32
        %add3A_855 = arith.addi %scan3A_171, %add3A_854 : i32
        %add3A_856 = arith.constant 4 : i32
        %add3A_857 = arith.addi %mul3A_57, %add3A_856 : i32
        %get3A_858 = arith.index_cast %add3A_855 : i32 to index
        %get3A_859 = arith.index_cast %add3A_857 : i32 to index
        %get3A_860 = tpu.vector_load %arg6[%get3A_858, %get3A_859] {strides = array<i32>} : memref<54x392xf32, #tpu.memory_space<vmem>>, vector<16xf32>,
        %eq3A_861 = arith.cmpf oeq, %get3A_187, %get3A_860 : vector<16xf32>
        %sub3A_862 = arith.subf %get3A_180, %get3A_853 : vector<16xf32>
        %abs3A_863 = math.absf %sub3A_862 : vector<16xf32>
        %broadcast_in_dim3A_864 = vector.broadcast %scan3A_47 : f32 to vector<16xf32>
        %select_n3A_865 = arith.select %eq3A_861, %abs3A_863, %broadcast_in_dim3A_864 : vector<16xi1>, vector<16xf32>
        %min3A_866 = vector.broadcast %scan3A_48 : f32 to vector<16xf32>
        %min3A_867 = arith.minimumf %select_n3A_865, %min3A_866 : vector<16xf32>
        %mul3A_868 = arith.constant 3.200000e+01 : f32
        %mul3A_869 = vector.broadcast %mul3A_868 : f32 to vector<16xf32>
        %mul3A_870 = arith.mulf %min3A_867, %mul3A_869 : vector<16xf32>
        %convert_element_type3A_871 = arith.fptosi %mul3A_870 : vector<16xf32> to vector<16xi32>
        %gt3A_872 = vector.broadcast %scan3A_47 : f32 to vector<16xf32>
        %gt3A_873 = arith.cmpf ogt, %select_n3A_865, %gt3A_872 : vector<16xf32>
        %and3A_874 = arith.andi %gt3A_873, %and3A_123 : vector<16xi1>
        %add3A_875 = arith.addf %select_n3A_865, %select_n3A_865 : vector<16xf32>
        %add3A_876 = arith.constant 3 : i32
        %add3A_877 = arith.addi %scan3A_171, %add3A_876 : i32
        %add3A_878 = arith.constant 5 : i32
        %add3A_879 = arith.addi %mul3A_57, %add3A_878 : i32
        %get3A_880 = arith.index_cast %add3A_877 : i32 to index
        %get3A_881 = arith.index_cast %add3A_879 : i32 to index
        %get3A_882 = tpu.vector_load %arg5[%get3A_880, %get3A_881] {strides = array<i32>} : memref<54x392xf32, #tpu.memory_space<vmem>>, vector<16xf32>,
        %add3A_883 = arith.constant 3 : i32
        %add3A_884 = arith.addi %scan3A_171, %add3A_883 : i32
        %add3A_885 = arith.constant 5 : i32
        %add3A_886 = arith.addi %mul3A_57, %add3A_885 : i32
        %get3A_887 = arith.index_cast %add3A_884 : i32 to index
        %get3A_888 = arith.index_cast %add3A_886 : i32 to index
        %get3A_889 = tpu.vector_load %arg6[%get3A_887, %get3A_888] {strides = array<i32>} : memref<54x392xf32, #tpu.memory_space<vmem>>, vector<16xf32>,
        %eq3A_890 = arith.cmpf oeq, %get3A_187, %get3A_889 : vector<16xf32>
        %sub3A_891 = arith.subf %get3A_180, %get3A_882 : vector<16xf32>
        %abs3A_892 = math.absf %sub3A_891 : vector<16xf32>
        %broadcast_in_dim3A_893 = vector.broadcast %scan3A_47 : f32 to vector<16xf32>
        %select_n3A_894 = arith.select %eq3A_890, %abs3A_892, %broadcast_in_dim3A_893 : vector<16xi1>, vector<16xf32>
        %min3A_895 = vector.broadcast %scan3A_48 : f32 to vector<16xf32>
        %min3A_896 = arith.minimumf %select_n3A_894, %min3A_895 : vector<16xf32>
        %mul3A_897 = arith.constant 3.200000e+01 : f32
        %mul3A_898 = vector.broadcast %mul3A_897 : f32 to vector<16xf32>
        %mul3A_899 = arith.mulf %min3A_896, %mul3A_898 : vector<16xf32>
        %convert_element_type3A_900 = arith.fptosi %mul3A_899 : vector<16xf32> to vector<16xi32>
        %gt3A_901 = vector.broadcast %scan3A_47 : f32 to vector<16xf32>
        %gt3A_902 = arith.cmpf ogt, %select_n3A_894, %gt3A_901 : vector<16xf32>
        %and3A_903 = arith.andi %gt3A_902, %and3A_136 : vector<16xi1>
        %add3A_904 = arith.addf %select_n3A_894, %select_n3A_894 : vector<16xf32>
        %add3A_905 = arith.constant 3 : i32
        %add3A_906 = arith.addi %scan3A_171, %add3A_905 : i32
        %add3A_907 = arith.constant 6 : i32
        %add3A_908 = arith.addi %mul3A_57, %add3A_907 : i32
        %get3A_909 = arith.index_cast %add3A_906 : i32 to index
        %get3A_910 = arith.index_cast %add3A_908 : i32 to index
        %get3A_911 = tpu.vector_load %arg5[%get3A_909, %get3A_910] {strides = array<i32>} : memref<54x392xf32, #tpu.memory_space<vmem>>, vector<16xf32>,
        %add3A_912 = arith.constant 3 : i32
        %add3A_913 = arith.addi %scan3A_171, %add3A_912 : i32
        %add3A_914 = arith.constant 6 : i32
        %add3A_915 = arith.addi %mul3A_57, %add3A_914 : i32
        %get3A_916 = arith.index_cast %add3A_913 : i32 to index
        %get3A_917 = arith.index_cast %add3A_915 : i32 to index
        %get3A_918 = tpu.vector_load %arg6[%get3A_916, %get3A_917] {strides = array<i32>} : memref<54x392xf32, #tpu.memory_space<vmem>>, vector<16xf32>,
        %eq3A_919 = arith.cmpf oeq, %get3A_187, %get3A_918 : vector<16xf32>
        %sub3A_920 = arith.subf %get3A_180, %get3A_911 : vector<16xf32>
        %abs3A_921 = math.absf %sub3A_920 : vector<16xf32>
        %broadcast_in_dim3A_922 = vector.broadcast %scan3A_47 : f32 to vector<16xf32>
        %select_n3A_923 = arith.select %eq3A_919, %abs3A_921, %broadcast_in_dim3A_922 : vector<16xi1>, vector<16xf32>
        %min3A_924 = vector.broadcast %scan3A_48 : f32 to vector<16xf32>
        %min3A_925 = arith.minimumf %select_n3A_923, %min3A_924 : vector<16xf32>
        %mul3A_926 = arith.constant 3.200000e+01 : f32
        %mul3A_927 = vector.broadcast %mul3A_926 : f32 to vector<16xf32>
        %mul3A_928 = arith.mulf %min3A_925, %mul3A_927 : vector<16xf32>
        %convert_element_type3A_929 = arith.fptosi %mul3A_928 : vector<16xf32> to vector<16xi32>
        %gt3A_930 = vector.broadcast %scan3A_47 : f32 to vector<16xf32>
        %gt3A_931 = arith.cmpf ogt, %select_n3A_923, %gt3A_930 : vector<16xf32>
        %and3A_932 = arith.andi %gt3A_931, %and3A_149 : vector<16xi1>
        %add3A_933 = arith.addf %select_n3A_923, %select_n3A_923 : vector<16xf32>
        tpu.vector_store_idx %arg7[%convert_element_type3A_592], %broadcast_in_dim3A_45 masked %and3A_597 {add = true} : memref<2048xf32, #tpu.memory_space<vmem>>[vector<16xi32>], vector<16xf32>, vector<16xi1>
        tpu.vector_store_idx %arg8[%convert_element_type3A_592], %add3A_598 masked %and3A_597 {add = true} : memref<2048xf32, #tpu.memory_space<vmem>>[vector<16xi32>], vector<16xf32>, vector<16xi1>
        tpu.vector_store_idx %arg7[%convert_element_type3A_623], %broadcast_in_dim3A_45 masked %and3A_628 {add = true} : memref<2048xf32, #tpu.memory_space<vmem>>[vector<16xi32>], vector<16xf32>, vector<16xi1>
        tpu.vector_store_idx %arg8[%convert_element_type3A_623], %add3A_629 masked %and3A_628 {add = true} : memref<2048xf32, #tpu.memory_space<vmem>>[vector<16xi32>], vector<16xf32>, vector<16xi1>
        tpu.vector_store_idx %arg7[%convert_element_type3A_654], %broadcast_in_dim3A_45 masked %and3A_659 {add = true} : memref<2048xf32, #tpu.memory_space<vmem>>[vector<16xi32>], vector<16xf32>, vector<16xi1>
        tpu.vector_store_idx %arg8[%convert_element_type3A_654], %add3A_660 masked %and3A_659 {add = true} : memref<2048xf32, #tpu.memory_space<vmem>>[vector<16xi32>], vector<16xf32>, vector<16xi1>
        tpu.vector_store_idx %arg7[%convert_element_type3A_685], %broadcast_in_dim3A_45 masked %and3A_690 {add = true} : memref<2048xf32, #tpu.memory_space<vmem>>[vector<16xi32>], vector<16xf32>, vector<16xi1>
        tpu.vector_store_idx %arg8[%convert_element_type3A_685], %add3A_691 masked %and3A_690 {add = true} : memref<2048xf32, #tpu.memory_space<vmem>>[vector<16xi32>], vector<16xf32>, vector<16xi1>
        tpu.vector_store_idx %arg7[%convert_element_type3A_716], %broadcast_in_dim3A_45 masked %and3A_721 {add = true} : memref<2048xf32, #tpu.memory_space<vmem>>[vector<16xi32>], vector<16xf32>, vector<16xi1>
        tpu.vector_store_idx %arg8[%convert_element_type3A_716], %add3A_722 masked %and3A_721 {add = true} : memref<2048xf32, #tpu.memory_space<vmem>>[vector<16xi32>], vector<16xf32>, vector<16xi1>
        tpu.vector_store_idx %arg7[%convert_element_type3A_747], %broadcast_in_dim3A_45 masked %and3A_752 {add = true} : memref<2048xf32, #tpu.memory_space<vmem>>[vector<16xi32>], vector<16xf32>, vector<16xi1>
        tpu.vector_store_idx %arg8[%convert_element_type3A_747], %add3A_753 masked %and3A_752 {add = true} : memref<2048xf32, #tpu.memory_space<vmem>>[vector<16xi32>], vector<16xf32>, vector<16xi1>
        tpu.vector_store_idx %arg7[%convert_element_type3A_778], %broadcast_in_dim3A_45 masked %and3A_783 {add = true} : memref<2048xf32, #tpu.memory_space<vmem>>[vector<16xi32>], vector<16xf32>, vector<16xi1>
        tpu.vector_store_idx %arg8[%convert_element_type3A_778], %add3A_784 masked %and3A_783 {add = true} : memref<2048xf32, #tpu.memory_space<vmem>>[vector<16xi32>], vector<16xf32>, vector<16xi1>
        tpu.vector_store_idx %arg7[%convert_element_type3A_809], %broadcast_in_dim3A_45 masked %and3A_814 {add = true} : memref<2048xf32, #tpu.memory_space<vmem>>[vector<16xi32>], vector<16xf32>, vector<16xi1>
        tpu.vector_store_idx %arg8[%convert_element_type3A_809], %add3A_815 masked %and3A_814 {add = true} : memref<2048xf32, #tpu.memory_space<vmem>>[vector<16xi32>], vector<16xf32>, vector<16xi1>
        tpu.vector_store_idx %arg7[%convert_element_type3A_840], %broadcast_in_dim3A_45 masked %and3A_845 {add = true} : memref<2048xf32, #tpu.memory_space<vmem>>[vector<16xi32>], vector<16xf32>, vector<16xi1>
        tpu.vector_store_idx %arg8[%convert_element_type3A_840], %add3A_846 masked %and3A_845 {add = true} : memref<2048xf32, #tpu.memory_space<vmem>>[vector<16xi32>], vector<16xf32>, vector<16xi1>
        tpu.vector_store_idx %arg7[%convert_element_type3A_871], %broadcast_in_dim3A_45 masked %and3A_874 {add = true} : memref<2048xf32, #tpu.memory_space<vmem>>[vector<16xi32>], vector<16xf32>, vector<16xi1>
        tpu.vector_store_idx %arg8[%convert_element_type3A_871], %add3A_875 masked %and3A_874 {add = true} : memref<2048xf32, #tpu.memory_space<vmem>>[vector<16xi32>], vector<16xf32>, vector<16xi1>
        tpu.vector_store_idx %arg7[%convert_element_type3A_900], %broadcast_in_dim3A_45 masked %and3A_903 {add = true} : memref<2048xf32, #tpu.memory_space<vmem>>[vector<16xi32>], vector<16xf32>, vector<16xi1>
        tpu.vector_store_idx %arg8[%convert_element_type3A_900], %add3A_904 masked %and3A_903 {add = true} : memref<2048xf32, #tpu.memory_space<vmem>>[vector<16xi32>], vector<16xf32>, vector<16xi1>
        tpu.vector_store_idx %arg7[%convert_element_type3A_929], %broadcast_in_dim3A_45 masked %and3A_932 {add = true} : memref<2048xf32, #tpu.memory_space<vmem>>[vector<16xi32>], vector<16xf32>, vector<16xi1>
        tpu.vector_store_idx %arg8[%convert_element_type3A_929], %add3A_933 masked %and3A_932 {add = true} : memref<2048xf32, #tpu.memory_space<vmem>>[vector<16xi32>], vector<16xf32>, vector<16xi1>
        %eq3A_934 = vector.broadcast %scan3A_47 : f32 to vector<16xf32>
        %eq3A_935 = arith.cmpf oeq, %get3A_187, %eq3A_934 : vector<16xf32>
        %abs3A_936 = math.absf %get3A_180 : vector<16xf32>
        %broadcast_in_dim3A_937 = vector.broadcast %scan3A_47 : f32 to vector<16xf32>
        %select_n3A_938 = arith.select %eq3A_935, %abs3A_936, %broadcast_in_dim3A_937 : vector<16xi1>, vector<16xf32>
        %min3A_939 = vector.broadcast %scan3A_48 : f32 to vector<16xf32>
        %min3A_940 = arith.minimumf %select_n3A_938, %min3A_939 : vector<16xf32>
        %mul3A_941 = arith.constant 3.200000e+01 : f32
        %mul3A_942 = vector.broadcast %mul3A_941 : f32 to vector<16xf32>
        %mul3A_943 = arith.mulf %min3A_940, %mul3A_942 : vector<16xf32>
        %convert_element_type3A_944 = arith.fptosi %mul3A_943 : vector<16xf32> to vector<16xi32>
        %sub3A_945 = arith.constant 3 : i32
        %sub3A_946 = arith.subi %sub3A_945, %add3A_174 : i32
        %max3A_947 = arith.constant 0 : i32
        %max3A_948 = arith.maxsi %sub3A_946, %max3A_947 : i32
        %sub3A_949 = arith.constant 7 : i32
        %sub3A_950 = arith.subi %sub3A_949, %max3A_948 : i32
        %sub3A_951 = arith.constant 380 : i32
        %sub3A_952 = arith.subi %add3A_174, %sub3A_951 : i32
        %max3A_953 = arith.constant 0 : i32
        %max3A_954 = arith.maxsi %sub3A_952, %max3A_953 : i32
        %sub3A_955 = arith.subi %sub3A_950, %max3A_954 : i32
        %mul3A_956 = vector.broadcast %sub3A_955 : i32 to vector<16xi32>
        %mul3A_957 = arith.muli %mul3A_956, %sub3A_164 : vector<16xi32>
        %sub3A_958 = arith.constant 49 : i32
        %sub3A_959 = vector.broadcast %sub3A_958 : i32 to vector<16xi32>
        %sub3A_960 = arith.subi %sub3A_959, %mul3A_957 : vector<16xi32>
        %convert_element_type3A_961 = arith.sitofp %sub3A_960 : vector<16xi32> to vector<16xf32>
        %gt3A_962 = vector.broadcast %scan3A_47 : f32 to vector<16xf32>
        %gt3A_963 = arith.cmpf ogt, %select_n3A_938, %gt3A_962 : vector<16xf32>
        %gt3A_964 = vector.broadcast %scan3A_47 : f32 to vector<16xf32>
        %gt3A_965 = arith.cmpf ogt, %convert_element_type3A_961, %gt3A_964 : vector<16xf32>
        %and3A_966 = arith.andi %gt3A_963, %gt3A_965 : vector<16xi1>
        tpu.vector_store_idx %arg7[%convert_element_type3A_944], %convert_element_type3A_961 masked %and3A_966 {add = true} : memref<2048xf32, #tpu.memory_space<vmem>>[vector<16xi32>], vector<16xf32>, vector<16xi1>
        %mul3A_967 = arith.mulf %convert_element_type3A_961, %select_n3A_938 : vector<16xf32>
        tpu.vector_store_idx %arg8[%convert_element_type3A_944], %mul3A_967 masked %and3A_966 {add = true} : memref<2048xf32, #tpu.memory_space<vmem>>[vector<16xi32>], vector<16xf32>, vector<16xi1>
      }
      %scan3A_170 = arith.constant 48 : i32
    }
    %scan3A_53 = arith.constant 24 : i32
    %run_scoped3A = arith.constant 0 : i32
    "tpu.region"() ({
      %run_scoped3A_55 = tpu.sem_alloc : memref<!tpu.dma_semaphore, #tpu.memory_space<semaphore_mem>>
      %dma_start3A = arith.constant 0 : i32
      %dma_start3A_56 = tpu.memref_slice %arg4[%add3A, %run_scoped3A, %dma_start3A] : memref<32x2x2048xf32, #tpu.memory_space<hbm>> -> memref<1x1x2048xf32, #tpu.memory_space<hbm>>
      %dma_start3A_57 = tpu.memref_squeeze %dma_start3A_56 : memref<1x1x2048xf32, #tpu.memory_space<hbm>> -> memref<2048xf32, #tpu.memory_space<hbm>>
      %dma_start3A_58 = arith.constant 0 : i32
      %dma_start3A_59 = tpu.memref_slice %arg4[%add3A, %run_scoped3A, %dma_start3A_58] : memref<32x2x2048xf32, #tpu.memory_space<hbm>> -> memref<1x1x2048xf32, #tpu.memory_space<hbm>>
      %dma_start3A_60 = tpu.memref_squeeze %dma_start3A_59 : memref<1x1x2048xf32, #tpu.memory_space<hbm>> -> memref<2048xf32, #tpu.memory_space<hbm>>
      tpu.enqueue_dma source(%arg7 : memref<2048xf32, #tpu.memory_space<vmem>>) target(%dma_start3A_60 : memref<2048xf32, #tpu.memory_space<hbm>>) target_semaphore(%run_scoped3A_55 : memref<!tpu.dma_semaphore, #tpu.memory_space<semaphore_mem>>)
      %dma_wait3A = arith.constant 0 : i32
      %dma_wait3A_61 = tpu.memref_slice %arg4[%add3A, %run_scoped3A, %dma_wait3A] : memref<32x2x2048xf32, #tpu.memory_space<hbm>> -> memref<1x1x2048xf32, #tpu.memory_space<hbm>>
      %dma_wait3A_62 = tpu.memref_squeeze %dma_wait3A_61 : memref<1x1x2048xf32, #tpu.memory_space<hbm>> -> memref<2048xf32, #tpu.memory_space<hbm>>
      %dma_wait3A_63 = arith.constant 0 : i32
      %dma_wait3A_64 = tpu.memref_slice %arg4[%add3A, %run_scoped3A, %dma_wait3A_63] : memref<32x2x2048xf32, #tpu.memory_space<hbm>> -> memref<1x1x2048xf32, #tpu.memory_space<hbm>>
      %dma_wait3A_65 = tpu.memref_squeeze %dma_wait3A_64 : memref<1x1x2048xf32, #tpu.memory_space<hbm>> -> memref<2048xf32, #tpu.memory_space<hbm>>
      tpu.wait_dma2 semaphore(%run_scoped3A_55 : memref<!tpu.dma_semaphore, #tpu.memory_space<semaphore_mem>>) src(%arg7 : memref<2048xf32, #tpu.memory_space<vmem>>) dst(%dma_wait3A_65 : memref<2048xf32, #tpu.memory_space<hbm>>)
      tpu.yield
    }) : () -> ()
    %run_scoped3A_54 = arith.constant 1 : i32
    "tpu.region"() ({
      %run_scoped3A_55 = tpu.sem_alloc : memref<!tpu.dma_semaphore, #tpu.memory_space<semaphore_mem>>
      %dma_start3A = arith.constant 0 : i32
      %dma_start3A_56 = tpu.memref_slice %arg4[%add3A, %run_scoped3A_54, %dma_start3A] : memref<32x2x2048xf32, #tpu.memory_space<hbm>> -> memref<1x1x2048xf32, #tpu.memory_space<hbm>>
      %dma_start3A_57 = tpu.memref_squeeze %dma_start3A_56 : memref<1x1x2048xf32, #tpu.memory_space<hbm>> -> memref<2048xf32, #tpu.memory_space<hbm>>
      %dma_start3A_58 = arith.constant 0 : i32
      %dma_start3A_59 = tpu.memref_slice %arg4[%add3A, %run_scoped3A_54, %dma_start3A_58] : memref<32x2x2048xf32, #tpu.memory_space<hbm>> -> memref<1x1x2048xf32, #tpu.memory_space<hbm>>
      %dma_start3A_60 = tpu.memref_squeeze %dma_start3A_59 : memref<1x1x2048xf32, #tpu.memory_space<hbm>> -> memref<2048xf32, #tpu.memory_space<hbm>>
      tpu.enqueue_dma source(%arg8 : memref<2048xf32, #tpu.memory_space<vmem>>) target(%dma_start3A_60 : memref<2048xf32, #tpu.memory_space<hbm>>) target_semaphore(%run_scoped3A_55 : memref<!tpu.dma_semaphore, #tpu.memory_space<semaphore_mem>>)
      %dma_wait3A = arith.constant 0 : i32
      %dma_wait3A_61 = tpu.memref_slice %arg4[%add3A, %run_scoped3A_54, %dma_wait3A] : memref<32x2x2048xf32, #tpu.memory_space<hbm>> -> memref<1x1x2048xf32, #tpu.memory_space<hbm>>
      %dma_wait3A_62 = tpu.memref_squeeze %dma_wait3A_61 : memref<1x1x2048xf32, #tpu.memory_space<hbm>> -> memref<2048xf32, #tpu.memory_space<hbm>>
      %dma_wait3A_63 = arith.constant 0 : i32
      %dma_wait3A_64 = tpu.memref_slice %arg4[%add3A, %run_scoped3A_54, %dma_wait3A_63] : memref<32x2x2048xf32, #tpu.memory_space<hbm>> -> memref<1x1x2048xf32, #tpu.memory_space<hbm>>
      %dma_wait3A_65 = tpu.memref_squeeze %dma_wait3A_64 : memref<1x1x2048xf32, #tpu.memory_space<hbm>> -> memref<2048xf32, #tpu.memory_space<hbm>>
      tpu.wait_dma2 semaphore(%run_scoped3A_55 : memref<!tpu.dma_semaphore, #tpu.memory_space<semaphore_mem>>) src(%arg8 : memref<2048xf32, #tpu.memory_space<vmem>>) dst(%dma_wait3A_65 : memref<2048xf32, #tpu.memory_space<hbm>>)
      tpu.yield
    }) : () -> ()
    return
  }
}

</mosaic_0001>

<sc_bundles>
// kernel: kernel.3.cloned.1.call-start
scs
__scs_entry_jumppad:
0x0: {  	(pc) =	sbr.rel $0x88, $3  }
0x1: {  	(tag) =	ssettag $0x0;
	lr =	simm.s32 $0x1  }
0x2: {  	[smem:$0x3F9F] =	sst lr;
	_ =	strace $0xD0000000  }
0x3: {  	_ = 	snop  }
0x4: {  	_ = 	snop  }
0x5: {  	_ = 	snop  }
0x6: {  	_ = 	snop  }
0x7: {  	_ = 	snop  }
__scs_overlays_trampoline_lowered:
0x8: {  	[smem:$0x3FAE] =	sst s0  }
0x9: {  	[smem:$0x3FAF] =	sst s1  }
0xa: {  	[smem:$0x3FB0] =	sst s2  }
0xb: {  	[smem:$0x3FB1] =	sst s3  }
0xc: {  	[smem:$0x3FB2] =	sst s4  }
0xd: {  	[smem:$0x3FB3] =	sst s5  }
0xe: {  	[smem:$0x3FB4] =	sst s6  }
0xf: {  	[smem:$0x3FB5] =	sst s7  }
0x10: {  	[smem:$0x3FB6] =	sst s8  }
0x11: {  	[smem:$0x3FB7] =	sst s9;
	s0 =	simm.s32 @!p0 $0x0  }
0x12: {  	s1 =	sld [smem:$0x3F9D];
	s0 =	simm.s32 @p0 $0x1  }
0x13: {  	[smem:$0x3FB8] =	sst s0;
	s0 =	simm.s32 @!p1 $0x0  }
0x14: {  	s2 =	sld [smem:$0x3F9C];
	s0 =	simm.s32 @p1 $0x1  }
0x15: {  	[smem:$0x3FB9] =	sst s0;
	s0 =	simm.s32 @!p2 $0x0  }
0x16: {  	s3 =	sld [smem:$0x3FDB];
	s0 =	simm.s32 @p2 $0x1  }
0x17: {  	s4 =	simm.s32 $0x1BF5;
	[smem:$0x3FBB] =	sst s0  }
0x18: {  	s0 =	sld [smem:$0x3F9E];
	_ =	swait.ge [sflag:s4], $0x0  }
0x19: {  	s7 =	sld [smem:$0x3F9F]  }
0x1a: {  	s8 =	sadd.s32 $0xFFFFE003, lr  }
0x1b: {  	s9 =	sadd.s32 $0xFFFFFEF7, lr;
	s5 =	simm.s32 $0xFFFFFFFF;
	p2 =	slt.u32 s8, $0xFFFFF086  }
0x1c: {  	p1 =	slt.u32 s9, $0xF7A;
	s5 =	simm.s32 @!p2 $0x0  }
0x1d: {  	s5 =	simm.s32 @p1 $0x1;
	p0 =	seq.s32 s7, s2  }
0x1e: {  	s7 =	smul.u32 @!p0 $0xF7A, s2;
	p2 =	seq.s32 @!p0 s5, $0x0  }
0x1f: {  	s9 =	smul.u32 $0xF7A, s1;
	s8 =	simm.s32 @!p0 $0x1BF5;
	p2 =	por !p2, p0  }
0x20: {  	[sflag:s8] =	ssyncset.s32 @!p0 $0xFFFFF086;
	s6 =	sadd.s32 @!p0 s3, s7;
	s7 =	simm.s32 @!p0 $0x108  }
0x21: {  	s3 =	sadd.s32 s3, s9;
	s6 =	sadd.s32 @!p0 $0x88, s6;
	s7 =	simm.s32 @p2 $0x1082  }
0x22: {  	[simem:s7], [sflag:s8] =	dma.local @!p0 [hbm:s6], $0xF7A  }
0x23: {  	s9 =	sor.u32 $0xD0000000, s2;
	s6 =	simm.s32 $0x108;
	_ =	swait.ge @!p0 [sflag:s8], $0x0  }
0x24: {  	s3 =	sadd.s32 $0x88, s3;
	s6 =	simm.s32 @!p1 $0x1082;
	[sflag:s4] =	ssyncset.s32 $0xFFFFF086  }
0x25: {  	[simem:s6], [sflag:s4] =	dma.local [hbm:s3], $0xF7A  }
0x26: {  	[smem:$0x3F9F] =	sst s1;
	(tag) =	ssettag s2;
	_ =	strace s9  }
0x27: {  	s1 =	sld [smem:$0x3FAF]  }
0x28: {  	s2 =	sld [smem:$0x3FB0]  }
0x29: {  	s4 =	sld [smem:$0x3FB2]  }
0x2a: {  	p0 =	seq.s32 s5, $0x0;
	s5 =	sld [smem:$0x3FB3]  }
0x2b: {  	s6 =	sld [smem:$0x3FB4]  }
0x2c: {  	s7 =	sld [smem:$0x3FB5]  }
0x2d: {  	s3 =	simm.s32 $0x108;
	s8 =	sld [smem:$0x3FB6]  }
0x2e: {  	s3 =	simm.s32 @!p0 $0x1082;
	s9 =	sld [smem:$0x3FB7]  }
0x2f: {  	lr =	sadd.s32 s0, s3;
	s0 =	sld [smem:$0x3FAE]  }
0x30: {  	s3 =	sld [smem:$0x3FB1]  }
0x31: {  	[smem:$0x3FBA] =	sst s10  }
0x32: {  	s10 =	sld [smem:$0x3FB8];
	_ =	sdelay $0x3  }
0x33: {  	p0 =	seq.s32 s10, $0x1;
	s10 =	sld [smem:$0x3FBA];
	_ =	sdelay $0x3  }
0x34: {  	[smem:$0x3FBA] =	sst s10  }
0x35: {  	s10 =	sld [smem:$0x3FB9];
	_ =	sdelay $0x3  }
0x36: {  	p1 =	seq.s32 s10, $0x1;
	s10 =	sld [smem:$0x3FBA];
	_ =	sdelay $0x3  }
0x37: {  	[smem:$0x3FBA] =	sst s10  }
0x38: {  	s10 =	sld [smem:$0x3FBB]  }
0x39: {  	_ = 	snop;
	(pc) =	sbr.ind lr, $3  }
0x3a: {  	_ = 	snop  }
0x3b: {  	_ = 	snop  }
0x3c: {  	p2 =	seq.s32 s10, $0x1;
	s10 =	sld [smem:$0x3FBA]  }
0x3d: {  	_ =	shalt  }
0x3e: {  	_ =	shalt  }
0x3f: {  	_ =	shalt  }
0x40: {  	_ =	shalt  }
0x41: {  	_ =	shalt  }
0x42: {  	_ =	shalt  }
0x43: {  	_ =	shalt  }
0x44: {  	_ =	shalt  }
0x45: {  	_ =	shalt  }
0x46: {  	_ =	shalt  }
0x47: {  	_ =	shalt  }
0x48: {  	_ =	shalt  }
0x49: {  	_ =	shalt  }
0x4a: {  	_ =	shalt  }
0x4b: {  	_ =	shalt  }
0x4c: {  	_ =	shalt  }
0x4d: {  	_ =	shalt  }
0x4e: {  	_ =	shalt  }
0x4f: {  	_ =	shalt  }
0x50: {  	_ =	shalt  }
0x51: {  	_ =	shalt  }
0x52: {  	_ =	shalt  }
0x53: {  	_ =	shalt  }
0x54: {  	_ =	shalt  }
0x55: {  	_ =	shalt  }
0x56: {  	_ =	shalt  }
0x57: {  	_ =	shalt  }
0x58: {  	_ =	shalt  }
0x59: {  	_ =	shalt  }
0x5a: {  	_ =	shalt  }
0x5b: {  	_ =	shalt  }
0x5c: {  	_ =	shalt  }
0x5d: {  	_ =	shalt  }
0x5e: {  	_ =	shalt  }
0x5f: {  	_ =	shalt  }
0x60: {  	_ =	shalt  }
0x61: {  	_ =	shalt  }
0x62: {  	_ =	shalt  }
0x63: {  	_ =	shalt  }
0x64: {  	_ =	shalt  }
0x65: {  	_ =	shalt  }
0x66: {  	_ =	shalt  }
0x67: {  	_ =	shalt  }
0x68: {  	_ =	shalt  }
0x69: {  	_ =	shalt  }
0x6a: {  	_ =	shalt  }
0x6b: {  	_ =	shalt  }
0x6c: {  	_ =	shalt  }
0x6d: {  	_ =	shalt  }
0x6e: {  	_ =	shalt  }
0x6f: {  	_ =	shalt  }
0x70: {  	_ =	shalt  }
0x71: {  	_ =	shalt  }
0x72: {  	_ =	shalt  }
0x73: {  	_ =	shalt  }
0x74: {  	_ =	shalt  }
0x75: {  	_ =	shalt  }
0x76: {  	_ =	shalt  }
0x77: {  	_ =	shalt  }
0x78: {  	_ =	shalt  }
0x79: {  	_ =	shalt  }
0x7a: {  	_ =	shalt  }
0x7b: {  	_ =	shalt  }
0x7c: {  	_ =	shalt  }
0x7d: {  	_ =	shalt  }
0x7e: {  	_ =	shalt  }
0x7f: {  	_ =	shalt  }
0x80: {  	_ =	shalt  }
0x81: {  	_ =	shalt  }
0x82: {  	_ =	shalt  }
0x83: {  	_ =	shalt  }
0x84: {  	_ =	shalt  }
0x85: {  	_ =	shalt  }
0x86: {  	_ =	shalt  }
0x87: {  	_ =	shalt  }
.Lfunc_end0:
.L_simem_size_0:
called_computation_lowered:
.L_overlay_start_0:
0x88: {  	s2 =	sld [smem:$0x3FD9]  }
0x89: {  	s3 =	sld [smem:$0x3FFE];
	_ =	sdelay $0x1  }
0x8a: {  	s1 =	srdreg.scid  }
0x8b: {  	s0 =	sand.u32 $0x1, s1  }
0x8c: {  	s16 =	sshll.u32 s0, $0xA;
	s2 =	sadd.s32 s3, s2  }
0x8d: {  	s2 =	sadd.s32 s2, s16  }
0x8e: {  	[smem:$0x3FC6] =	sst s2  }
0x8f: {  	_ = 	snop  }
0x90: {  	(tm) =	ssettm $0x1  }
0x91: {  	s17 =	sld [smem:$0x3FFB];
	_ =	sdelay $0x3  }
0x92: {  	_ =	strace s17  }
0x93: {  	s2 =	sld [smem:$0x3FFC];
	_ =	sdelay $0x3  }
0x94: {  	_ =	strace s2  }
0x95: {  	s2 =	sld [smem:$0x3FFD];
	_ =	sdelay $0x3  }
0x96: {  	_ =	strace s2  }
0x97: {  	_ =	strace $0x8FFFFFFF  }
0x98: {  	s18 =	sld [smem:$0x3FDB];
	_ =	sdelay $0x1  }
0x99: {  	s19 =	simm.s32 $_scs_section_size  }
0x9a: {  	s4 =	simm.s32 $_size__tile_overlayer_lowered;
	s5 =	simm.s32 $_tile_overlayer_lowered  }
0x9b: {  	s22 =	simm.s32 $0x1BFF;
	s21 =	sshll.u32 s5, $0x1;
	s2 =	sadd.s32 s19, s18  }
0x9c: {  	s6 =	simm.s32 $0x0;
	s20 =	sshll.u32 s4, $0x1;
	s4 =	sadd.s32 s21, s2  }
0x9d: {  	[timem:s6], [sflag:s22] =	dma.local [hbm:s4], s20  }
0x9e: {  	_ =	swait.ge [sflag:s22], s20  }
0x9f: {  	s3 =	ssub.s32 $0x0, s20;
	[sflag:s22] =	ssyncset.done $0x0  }
0xa0: {  	[sflag:s22] =	ssyncadd.s32 s3;
	_ =	sdelay $0x1  }
0xa1: {  	s23 =	simm.s32 $0x1B8B  }
0xa2: {  	_ =	swait.ge [sflag:s23], $0x1  }
0xa3: {  	[sflag:s23] =	ssyncset.done $0x0  }
0xa4: {  	s25 =	simm.s32 $0x1B8E;
	s24 =	sld [smem:$0x3FFE];
	[sflag:s23] =	ssyncadd.s32 $0xFFFFFFFF  }
0xa5: {  	s26 =	simm.s32 $execute0_lowered;
	[smem:$0x3FD2] =	sst s25  }
0xa6: {  	s4 =	sshll.u32 s26, $0x1;
	_ =	strace $0x80000046;
	[dreg:$0x1] =	wrdreg $0xFFFFFFFF  }
0xa7: {  	s28 =	simm.s32 $_size_execute0_lowered;
	s2 =	sadd.s32 s2, s4;
	[dreg:$0x0] =	wrdreg $0x0  }
0xa8: {  	s4 =	sshll.u32 s28, $0x1;
	[dreg:$0x2] =	wrdreg s2  }
0xa9: {  	[dreg:$0x3] =	wrdreg s4  }
0xaa: {  	[dreg:$0x4] =	wrdreg $0xC0  }
0xab: {  	_ =	task [dreg:s6], $0x5FFFF  }
0xac: {  	[dreg:$0x1] =	wrdreg $0xFFFFFFFF  }
0xad: {  	[dreg:$0x0] =	wrdreg $0x60  }
0xae: {  	[dreg:$0x2] =	wrdreg s24  }
0xaf: {  	[dreg:$0x3] =	wrdreg $0x9  }
0xb0: {  	_ =	task.clear_ibuf [dreg:s6], $0x4FFFF;
	_ =	strace $0x90000046  }
0xb1: {  	s29 =	simm.s32 $0x9;
	_ =	strace $0x80000048  }
0xb2: {  	_ =	swait.ge [sflag:s29], $0x1  }
0xb3: {  	[sflag:s29] =	ssyncadd.s32 $0xFFFFFFFF  }
0xb4: {  	_ =	strace $0x90000048  }
0xb5: {  	_ =	sfence  }
0xb6: {  	s30 =	sld [smem:$0x0];
	_ =	sdelay $0x2  }
0xb7: {  	s31 =	sshll.u32 s1, $0xD;
	s1 =	sshrl.u32 s1, $0x2  }
0xb8: {  	s3 =	sand.u32 $0x4000, s31;
	s1 =	sadd.s32 s1, s30  }
0xb9: {  	s0 =	sor.u32 s3, s0;
	s1 =	sshll.u32 s1, $0x11  }
0xba: {  	s0 =	sor.u32 s1, s0  }
0xbb: {  	s0 =	sadd.s32 $0x8F2B, s0  }
0xbc: {  	[sflag:s0] =	ssyncadd.remote.s32 $0x1  }
0xbd: {  	_ =	sfence.sel $0xFFFF  }
0xbe: {  	[dreg:$0x0] =	wrdreg $0xFFFFFFFF;
	(pc) =	sbr.abs _section_cstart, $3  }
0xbf: {  	[dreg:$0x1] =	wrdreg $0xFFFFFFFF  }
0xc0: {  	_ =	task.clear_ibuf [dreg:s6], $0x2FFFF;
	_ =	strace $0x9FFFFFFF  }
0xc1: {  	(tm) =	ssettm $0x7FFFFFFF  }
tec
execute0_lowered:
.L_overlay_start_1:
0x0: {  	(tag) =	ssettag $0x1  }
0x1: {  	s1 =	srdreg.scid;
	s0 =	stileid.u32  }
0x2: {  	s4 =	rddreg [dreg:$0x0];
	s10 =	simm.s32 $0x1;
	s11 =	simm.s32 $0x52B0  }
0x3: {  	s12 =	simm.s32 $0xA560;
	s13 =	simm.s32 $0xAD60;
	s3 =	sand.u32 $0x1, s1  }
0x4: {  	s5 =	sshrl.u32 s0, $0x3;
	s6 =	sand.u32 $0x7, s0;
	s2 =	sshll.u32 s3, $0x1  }
0x5: {  	s14 =	simm.s32 $0x0;
	s7 =	smul.u32 $0x4980, s6;
	s5 =	sor.u32 s5, s2  }
0x6: {  	s1 =	rddreg [dreg:$0x1];
	s9 =	sshll.u32 s0, $0x9;
	s5 =	smul.u32 $0x25530, s5  }
0x7: {  	s8 =	sshll.u32 s3, $0xD;
	s29 =	ssub.s32 $0x2, s3;
	s2 =	simm.s32 $0x0  }
0x8: {  	v5 =	vlaneseq.u32;
	s28 =	sor.u32 s9, s8;
	s31 =	sshrl.u32 s29, $0x1;
	s5 =	sadd.s32 s7, s5  }
0x9: {  	v0 =	vimm.f32 $0.0e+00;
	vm4 =	vmxor vm4, vm4;
	v8 =	vmul.u32 $0xFFFFFFFF, v5;
	[smem:$0x7FF] =	sst s2;
	s8 =	ssub.s32 s29, s31;
	s30 =	sshrl.u32 s5, $0x3  }
0xa: {  	v9 =	vimm.f32 $2.000000000e+00;
	v1 =	vadd.s32 $0xFFFFFFFD, v5;
	v2 =	vadd.s32 $0xFFFFFFFE, v5;
	s7 =	sadd.s32 s28, s4;
	s3 =	sadd.s32 s4, s30;
	s4 =	smul.u32 $0x30, s6  }
0xb: {  	v3 =	vadd.s32 $0xFFFFFFFF, v5;
	v5 =	vadd.s32 $0xFFFFFE84, v5;
	v4 =	vadd.s32 $0x3, v8;
	_ =	strace $0x80000047;
	s8 =	smax.u32 s8, $0x1;
	s6 =	sadd.s32 $0x25800, s7  }
0xc: {  	v6 =	vadd.s32 $0x17D, v8;
	v7 =	vadd.s32 $0x17E, v8;
	v8 =	vadd.s32 $0x17F, v8;
	s7 =	sadd.s32 $0x25900, s7;
	s5 =	sadd.s32 $0x12C00, s3;
	s9 =	ssub.s32 $0x3, s4  }
.LBB2_1:
0xd: {  	[tilespmem:s2], [sflag:$0x1] =	stream.linear.gather [hbm4b:s3+s2], $0x52B0, $0x38;
	[tilespmem:$0xB560] =	vst v63  }
0xe: {  	_ =	swait.ge [sflag:s10], $0x52B0  }
0xf: {  	[sflag:s10] =	ssyncset.done $0x0  }
0x10: {  	[sflag:s10] =	ssyncadd.s32 $0xFFFFAD50  }
0x11: {  	[tilespmem:s11], [sflag:$0x1] =	stream.linear.gather [hbm4b:s5+s2], $0x52B0, $0x38;
	[tilespmem:$0xB560] =	vst v63  }
0x12: {  	_ =	swait.ge [sflag:s10], $0x52B0  }
0x13: {  	[sflag:s10] =	ssyncset.done $0x0  }
0x14: {  	s15 =	simm.s32 $0x0;
	[sflag:s10] =	ssyncadd.s32 $0xFFFFAD50  }
.LBB2_2:
0x15: {  	p0 =	sne.s32 s15, $0x1FC0  }
.Ltmp0:
0x16: {  	_ = 	snop;
	(pc) =	sbr.rel @p0 .LBB2_2-.Ltmp0, $4  }
0x17: {  	_ = 	snop  }
0x18: {  	s16 =	sshra.s32 s15, $0x2  }
0x19: {  	[tilespmem:s16+$0xA560] =	vst v0  }
0x1a: {  	s15 =	sadd.s32 $0x40, s15;
	[tilespmem:s16+$0xAD60] =	vst v0  }
0x1b: {  	s15 =	simm.s32 $0x0;
	s16 =	simm.s32 $0x574B;
	s17 =	simm.s32 $0x49B  }
.LBB2_4:
0x1c: {  	s18 =	sshll.u32 s15, $0x4;
	v15 =	vimm.s32 $0x0  }
0x1d: {  	v11 =	vmov s18;
	v12 =	vadd.s32 s18, v5;
	v14 =	vadd.s32 s18, v3  }
0x1e: {  	v10 =	vsub.s32 v4, v11;
	vm1 =	vgt.s32 v12, $0x0;
	vm9 =	vlt.u32 v11, v6  }
0x1f: {  	vm10 =	vlt.u32 v11, v7;
	vm11 =	vlt.u32 v11, v8;
	vm12 =	vlt.u32 v11, $0x180  }
0x20: {  	v11 =	vimm.s32 $0x0;
	vm13 =	vlt.u32 v14, $0x180;
	v15 =	vsel vm9, $0xFFFFFFFF, v15  }
0x21: {  	vm0 =	vgt.s32 v10, $0x0;
	v12 =	vnsel vm1, $0x0, v12;
	v11 =	vsel vm12, $0xFFFFFFFF, v11;
	[tilespmem:$0x1FF90] =	vst v15  }
0x22: {  	v10 =	vnsel vm0, $0x0, v10;
	v15 =	vimm.s32 $0x0;
	[tilespmem:$0x1FFC0] =	vst v11;
	v11 =	vimm.s32 $0x0  }
0x23: {  	v10 =	vadd.s32 v10, v12;
	v12 =	vadd.s32 s18, v2;
	v11 =	vsel vm13, $0xFFFFFFFF, v11  }
0x24: {  	v15 =	vsel vm10, $0xFFFFFFFF, v15;
	[tilespmem:$0x1FFD0] =	vst v11;
	vm14 =	vlt.u32 v12, $0x180;
	v11 =	vimm.s32 $0x0  }
0x25: {  	v13 =	vadd.s32 s18, v1;
	[tilespmem:$0x1FFA0] =	vst v15;
	v15 =	vimm.s32 $0x0;
	v11 =	vsel vm14, $0xFFFFFFFF, v11  }
0x26: {  	vm15 =	vlt.u32 v13, $0x180;
	v15 =	vsel vm11, $0xFFFFFFFF, v15;
	[tilespmem:$0x1FFE0] =	vst v11;
	v11 =	vimm.s32 $0x0  }
0x27: {  	[tilespmem:$0x1FFB0] =	vst v15;
	v11 =	vsel vm15, $0xFFFFFFFF, v11  }
0x28: {  	s19 =	smov.u32 s9;
	s20 =	simm.s32 $0x0;
	s18 =	smov.u32 s4;
	v10 =	vadd.s32 $0xFFFFFFF9, v10;
	v12 =	vmov s16;
	[tilespmem:$0x1FFF0] =	vst v11;
	v11 =	vmov s17  }
.LBB2_5:
0x29: {  	v23 =	vld [tilespmem:$0x1FFF0]  }
0x2a: {  	v24 =	vld [tilespmem:$0x1FFE0]  }
0x2b: {  	v27 =	vld [tilespmem:$0x1FFD0]  }
0x2c: {  	v28 =	vld [tilespmem:$0x1FFC0]  }
0x2d: {  	v31 =	vld [tilespmem:$0x1FFB0]  }
0x2e: {  	s21 =	sshra.s32 s20, $0x2;
	v33 =	vld [tilespmem:$0x1FFA0]  }
0x2f: {  	v13 =	vld.idx.msk [tilespmem:v11+s21+$0x0 ss:$0x1], $0xffff  }
0x30: {  	v15 =	vld.idx.msk [tilespmem:v11+s21+$0x185 ss:$0x1], $0xffff  }
0x31: {  	v14 =	vld.idx.msk [tilespmem:v12+s21+$0x0 ss:$0x1], $0xffff  }
0x32: {  	v16 =	vld.idx.msk [tilespmem:v12+s21+$0x185 ss:$0x1], $0xffff  }
0x33: {  	v17 =	vld.idx.msk [tilespmem:v11+s21+$0x186 ss:$0x1], $0xffff  }
0x34: {  	v18 =	vld.idx.msk [tilespmem:v12+s21+$0x186 ss:$0x1], $0xffff  }
0x35: {  	v19 =	vld.idx.msk [tilespmem:v11+s21+$0x187 ss:$0x1], $0xffff  }
0x36: {  	v54 =	vld.idx.msk [tilespmem:v12+s21+$0x187 ss:$0x1], $0xffff  }
0x37: {  	v20 =	vld.idx.msk [tilespmem:v11+s21+$0x188 ss:$0x1], $0xffff  }
0x38: {  	v22 =	vld.idx.msk [tilespmem:v12+s21+$0x188 ss:$0x1], $0xffff  }
0x39: {  	v61 =	vld.idx.msk [tilespmem:v11+s21+$0x18A ss:$0x1], $0xffff  }
0x3a: {  	p0 =	slt.u32 s18, $0x17F;
	vm9 =	vmmov vm4;
	v39 =	vld.idx.msk [tilespmem:v11+s21+$0x30D ss:$0x1], $0xffff  }
0x3b: {  	vm9 =	vmneg @p0 vm9;
	v41 =	vld.idx.msk [tilespmem:v11+s21+$0x30E ss:$0x1], $0xffff;
	vm1 =	vnez.u8 v23;
	vm7 =	vnez.u8 v24  }
0x3c: {  	v35 =	vld.idx.msk [tilespmem:v11+s21+$0x310 ss:$0x1], $0xffff;
	vm6 =	vnez.u8 v27;
	vm5 =	vnez.u8 v28;
	vm2 =	vnez.u8 v31  }
0x3d: {  	vm3 =	vnez.u8 v33;
	v15 =	vsub.f32 v13, v15;
	vm0 =	veq.f32 v14, v16  }
0x3e: {  	v52 =	vsub.f32 v13, v17;
	vm14 =	veq.f32 v14, v18;
	v19 =	vsub.f32 v13, v19  }
0x3f: {  	v38 =	vld.idx.msk [tilespmem:v12+s21+$0x18B ss:$0x1], $0xffff;
	vm12 =	veq.f32 v14, v54;
	v56 =	vsub.f32 v13, v20;
	v62 =	vsub.f32 v13, v61  }
0x40: {  	vm13 =	veq.f32 v14, v22;
	v40 =	vsub.f32 v13, v39;
	v28 =	vsub.f32 v13, v41  }
0x41: {  	v49 =	vsub.f32 v13, v35;
	v15 =	vand.u32 $0x7FFFFFFF, v15;
	v16 =	vand.u32 $0x7FFFFFFF, v52  }
0x42: {  	v55 =	vand.u32 $0x7FFFFFFF, v19;
	v19 =	vand.u32 $0x7FFFFFFF, v56;
	v22 =	vand.u32 $0x7FFFFFFF, v62  }
0x43: {  	v28 =	vand.u32 $0x7FFFFFFF, v28;
	v15 =	vnsel vm0, $0x0, v15;
	v16 =	vnsel vm14, $0x0, v16  }
0x44: {  	v18 =	vnsel vm12, $0x0, v55;
	v19 =	vnsel vm13, $0x0, v19;
	vm13 =	veq.f32 v14, v38  }
0x45: {  	v53 =	vmin.f32 v15, $6.396875000e+01;
	v21 =	vmin.f32 v16, $6.396875000e+01;
	vm15 =	vgt.f32 v15, $0.0e+00  }
0x46: {  	v42 =	vld.idx.msk [tilespmem:v12+s21+$0x30E ss:$0x1], $0xffff;
	v15 =	vadd.f32 v15, v15;
	vm10 =	vgt.f32 v16, $0.0e+00;
	v59 =	vmin.f32 v18, $6.396875000e+01  }
0x47: {  	v16 =	vadd.f32 v16, v16;
	v25 =	vmin.f32 v19, $6.396875000e+01;
	vm14 =	vgt.f32 v18, $0.0e+00  }
0x48: {  	v58 =	vld.idx.msk [tilespmem:v11+s21+$0x189 ss:$0x1], $0xffff;
	v18 =	vadd.f32 v18, v18;
	vm12 =	vgt.f32 v19, $0.0e+00;
	v19 =	vadd.f32 v19, v19  }
0x49: {  	v60 =	vld.idx.msk [tilespmem:v12+s21+$0x189 ss:$0x1], $0xffff;
	v17 =	vmul.f32 $3.200000000e+01, v53;
	v21 =	vmul.f32 $3.200000000e+01, v21;
	vm0 =	vmand vm1, vm15  }
0x4a: {  	v36 =	vld.idx.msk [tilespmem:v11+s21+$0x18B ss:$0x1], $0xffff;
	vm10 =	vmand vm7, vm10;
	v23 =	vmul.f32 $3.200000000e+01, v59;
	v25 =	vmul.f32 $3.200000000e+01, v25  }
0x4b: {  	vm12 =	vmand vm5, vm12;
	vm15 =	veq.f32 v14, v42;
	vm8 =	vmand vm9, vm0  }
0x4c: {  	v26 =	vld.idx.msk [tilespmem:v12+s21+$0x18A ss:$0x1], $0xffff;
	vm10 =	vmand vm9, vm10;
	vm0 =	vmand vm6, vm14;
	v17 =	vtrunc.f32 v17  }
0x4d: {  	v30 =	vld.idx.msk [tilespmem:v12+s21+$0x30D ss:$0x1], $0xffff;
	v21 =	vtrunc.f32 v21;
	v23 =	vtrunc.f32 v23;
	vm11 =	vmand vm9, vm0  }
0x4e: {  	v43 =	vld.idx.msk [tilespmem:v11+s21+$0x30F ss:$0x1], $0xffff;
	v25 =	vtrunc.f32 v25;
	v57 =	vcvt.f32.s32 v21;
	v21 =	vsub.f32 v13, v58  }
0x4f: {  	vm0 =	veq.f32 v14, v60;
	v63 =	vcvt.f32.s32 v25;
	v25 =	vsub.f32 v13, v36  }
0x50: {  	v17 =	vcvt.f32.s32 v17;
	v23 =	vcvt.f32.s32 v23;
	v21 =	vand.u32 $0x7FFFFFFF, v21  }
0x51: {  	v25 =	vand.u32 $0x7FFFFFFF, v25;
	v21 =	vnsel vm0, $0x0, v21;
	vm0 =	veq.f32 v14, v26  }
0x52: {  	v36 =	vld [tilespmem:$0x1FF90];
	v25 =	vnsel vm13, $0x0, v25;
	vm13 =	veq.f32 v14, v30;
	v26 =	vand.u32 $0x7FFFFFFF, v40  }
0x53: {  	v30 =	vsub.f32 v13, v43;
	v37 =	vmin.f32 v21, $6.396875000e+01;
	v22 =	vnsel vm0, $0x0, v22  }
0x54: {  	vm0 =	vmand vm9, vm12;
	vm12 =	vgt.f32 v21, $0.0e+00;
	v21 =	vadd.f32 v21, v21  }
0x55: {  	v32 =	vmin.f32 v25, $6.396875000e+01;
	v26 =	vnsel vm13, $0x0, v26;
	v27 =	vmul.f32 $3.200000000e+01, v37  }
0x56: {  	v44 =	vld.idx.msk [tilespmem:v12+s21+$0x30F ss:$0x1], $0xffff;
	v29 =	vmin.f32 v22, $6.396875000e+01;
	vm12 =	vmand vm2, vm12;
	vm14 =	vgt.f32 v22, $0.0e+00  }
0x57: {  	v45 =	vld.idx.msk [tilespmem:v12+s21+$0x310 ss:$0x1], $0xffff;
	v32 =	vmul.f32 $3.200000000e+01, v32;
	v34 =	vmin.f32 v26, $6.396875000e+01;
	vm2 =	vnez.u8 v36  }
0x58: {  	v38 =	vld.idx.msk [tilespmem:v12+s21+$0x311 ss:$0x1], $0xffff;
	v22 =	vadd.f32 v22, v22;
	v46 =	vand.u32 $0x7FFFFFFF, v30;
	v29 =	vmul.f32 $3.200000000e+01, v29  }
0x59: {  	v37 =	vld.idx.msk [tilespmem:v11+s21+$0x311 ss:$0x1], $0xffff;
	vm12 =	vmand vm9, vm12;
	vm14 =	vmand vm3, vm14;
	v34 =	vmul.f32 $3.200000000e+01, v34  }
0x5a: {  	[tilespmem:v17+s12+$0x0] =	vst.idx.add.f32.msk vm8, v9;
	v27 =	vtrunc.f32 v27;
	vm13 =	vmand vm9, vm14;
	vm14 =	vgt.f32 v25, $0.0e+00  }
0x5b: {  	v32 =	vtrunc.f32 v32;
	v25 =	vadd.f32 v25, v25;
	[tilespmem:v17+s13+$0x0] =	vst.idx.add.f32.msk vm8, v15;
	vm8 =	vmmov vm4  }
0x5c: {  	v15 =	vnsel vm15, $0x0, v28;
	vm15 =	veq.f32 v14, v44;
	v27 =	vcvt.f32.s32 v27  }
0x5d: {  	p0 =	slt.u32 s18, $0x17E;
	v29 =	vtrunc.f32 v29;
	vm14 =	vmand vm2, vm14;
	v32 =	vcvt.f32.s32 v32  }
0x5e: {  	v53 =	vld [tilespmem:$0x1FFB0];
	v34 =	vtrunc.f32 v34;
	vm8 =	vmneg @p0 vm8;
	v28 =	vmin.f32 v15, $6.396875000e+01  }
0x5f: {  	[tilespmem:v57+s12+$0x0] =	vst.idx.add.f32.msk vm10, v9;
	v17 =	vnsel vm15, $0x0, v46;
	v29 =	vcvt.f32.s32 v29;
	vm9 =	vmand vm9, vm14  }
0x60: {  	v34 =	vcvt.f32.s32 v34;
	vm14 =	vgt.f32 v26, $0.0e+00;
	[tilespmem:v57+s13+$0x0] =	vst.idx.add.f32.msk vm10, v16;
	v47 =	vmul.f32 $3.200000000e+01, v28  }
0x61: {  	v48 =	vmin.f32 v17, $6.396875000e+01;
	v26 =	vadd.f32 v26, v26;
	vm14 =	vmand vm1, vm14;
	[tilespmem:v23+s12+$0x0] =	vst.idx.add.f32.msk vm11, v9  }
0x62: {  	v20 =	vmul.f32 $3.200000000e+01, v48;
	v50 =	vsub.f32 v13, v37;
	vm10 =	vmand vm8, vm14;
	[tilespmem:v23+s13+$0x0] =	vst.idx.add.f32.msk vm11, v18  }
0x63: {  	vm14 =	vgt.f32 v15, $0.0e+00;
	v16 =	vtrunc.f32 v47;
	v18 =	vand.u32 $0x7FFFFFFF, v49;
	[tilespmem:v63+s12+$0x0] =	vst.idx.add.f32.msk vm0, v9  }
0x64: {  	vm15 =	vmand vm7, vm14;
	v16 =	vcvt.f32.s32 v16;
	v20 =	vtrunc.f32 v20;
	[tilespmem:v63+s13+$0x0] =	vst.idx.add.f32.msk vm0, v19  }
0x65: {  	vm14 =	vgt.f32 v17, $0.0e+00;
	vm11 =	vmand vm8, vm15;
	vm0 =	veq.f32 v14, v45;
	[tilespmem:v27+s12+$0x0] =	vst.idx.add.f32.msk vm12, v9  }
0x66: {  	v20 =	vcvt.f32.s32 v20;
	v19 =	vand.u32 $0x7FFFFFFF, v50;
	v18 =	vnsel vm0, $0x0, v18;
	[tilespmem:v27+s13+$0x0] =	vst.idx.add.f32.msk vm12, v21  }
0x67: {  	vm0 =	veq.f32 v14, v38;
	v51 =	vmin.f32 v18, $6.396875000e+01;
	vm12 =	vmand vm6, vm14;
	[tilespmem:v29+s12+$0x0] =	vst.idx.add.f32.msk vm13, v9  }
0x68: {  	v19 =	vnsel vm0, $0x0, v19;
	vm14 =	vnez.u8 v53;
	v21 =	vmul.f32 $3.200000000e+01, v51;
	[tilespmem:v29+s13+$0x0] =	vst.idx.add.f32.msk vm13, v22  }
0x69: {  	vm0 =	vmand vm8, vm12;
	vm12 =	vgt.f32 v18, $0.0e+00;
	v52 =	vmin.f32 v19, $6.396875000e+01;
	[tilespmem:v32+s12+$0x0] =	vst.idx.add.f32.msk vm9, v9  }
0x6a: {  	vm12 =	vmand vm5, vm12;
	v22 =	vmul.f32 $3.200000000e+01, v52;
	v21 =	vtrunc.f32 v21;
	[tilespmem:v32+s13+$0x0] =	vst.idx.add.f32.msk vm9, v25  }
0x6b: {  	v21 =	vcvt.f32.s32 v21;
	vm9 =	vmand vm8, vm12;
	vm12 =	vgt.f32 v19, $0.0e+00;
	[tilespmem:v34+s12+$0x0] =	vst.idx.add.f32.msk vm10, v9  }
0x6c: {  	v15 =	vadd.f32 v15, v15;
	v22 =	vtrunc.f32 v22;
	vm12 =	vmand vm14, vm12;
	[tilespmem:v34+s13+$0x0] =	vst.idx.add.f32.msk vm10, v26  }
0x6d: {  	v22 =	vcvt.f32.s32 v22;
	vm12 =	vmand vm8, vm12;
	[tilespmem:v16+s12+$0x0] =	vst.idx.add.f32.msk vm11, v9  }
0x6e: {  	v17 =	vadd.f32 v17, v17;
	[tilespmem:v16+s13+$0x0] =	vst.idx.add.f32.msk vm11, v15  }
0x6f: {  	[tilespmem:v20+s12+$0x0] =	vst.idx.add.f32.msk vm0, v9  }
0x70: {  	v15 =	vadd.f32 v18, v18;
	[tilespmem:v20+s13+$0x0] =	vst.idx.add.f32.msk vm0, v17  }
0x71: {  	[tilespmem:v21+s12+$0x0] =	vst.idx.add.f32.msk vm9, v9  }
0x72: {  	v54 =	vadd.f32 v19, v19;
	[tilespmem:v21+s13+$0x0] =	vst.idx.add.f32.msk vm9, v15  }
0x73: {  	[tilespmem:v22+s12+$0x0] =	vst.idx.add.f32.msk vm12, v9  }
0x74: {  	[tilespmem:v22+s13+$0x0] =	vst.idx.add.f32.msk vm12, v54  }
0x75: {  	v15 =	vld.idx.msk [tilespmem:v11+s21+$0x312 ss:$0x1], $0xffff  }
0x76: {  	v16 =	vld.idx.msk [tilespmem:v12+s21+$0x312 ss:$0x1], $0xffff  }
0x77: {  	v55 =	vld.idx.msk [tilespmem:v11+s21+$0x313 ss:$0x1], $0xffff  }
0x78: {  	v57 =	vld.idx.msk [tilespmem:v12+s21+$0x313 ss:$0x1], $0xffff  }
0x79: {  	v58 =	vld.idx.msk [tilespmem:v11+s21+$0x495 ss:$0x1], $0xffff  }
0x7a: {  	v20 =	vld.idx.msk [tilespmem:v12+s21+$0x495 ss:$0x1], $0xffff  }
0x7b: {  	v21 =	vld.idx.msk [tilespmem:v11+s21+$0x496 ss:$0x1], $0xffff  }
0x7c: {  	v59 =	vld.idx.msk [tilespmem:v11+s21+$0x497 ss:$0x1], $0xffff  }
0x7d: {  	v22 =	vld.idx.msk [tilespmem:v12+s21+$0x496 ss:$0x1], $0xffff  }
0x7e: {  	v62 =	vld.idx.msk [tilespmem:v11+s21+$0x498 ss:$0x1], $0xffff  }
0x7f: {  	v32 =	vld.idx.msk [tilespmem:v11+s21+$0x499 ss:$0x1], $0xffff  }
0x80: {  	v27 =	vld.idx.msk [tilespmem:v11+s21+$0x49A ss:$0x1], $0xffff  }
0x81: {  	v34 =	vld.idx.msk [tilespmem:v11+s21+$0x49B ss:$0x1], $0xffff  }
0x82: {  	v37 =	vld.idx.msk [tilespmem:v11+s21+$0x1 ss:$0x1], $0xffff  }
0x83: {  	v38 =	vld.idx.msk [tilespmem:v11+s21+$0x2 ss:$0x1], $0xffff;
	v15 =	vsub.f32 v13, v15;
	vm13 =	veq.f32 v14, v16;
	v16 =	vsub.f32 v13, v55  }
0x84: {  	p0 =	slt.u32 s18, $0x17D;
	vm10 =	vmmov vm4;
	v24 =	vld.idx.msk [tilespmem:v12+s21+$0x497 ss:$0x1], $0xffff;
	v19 =	vsub.f32 v13, v58;
	v21 =	vsub.f32 v13, v21  }
0x85: {  	vm10 =	vmneg @p0 vm10;
	v25 =	vld.idx.msk [tilespmem:v12+s21+$0x498 ss:$0x1], $0xffff;
	v18 =	vsub.f32 v13, v59;
	v23 =	vsub.f32 v13, v62  }
0x86: {  	v33 =	vld.idx.msk [tilespmem:v12+s21+$0x499 ss:$0x1], $0xffff;
	vm11 =	veq.f32 v14, v22;
	v22 =	vsub.f32 v13, v32;
	v36 =	vsub.f32 v13, v27  }
0x87: {  	v35 =	vld.idx.msk [tilespmem:v12+s21+$0x49A ss:$0x1], $0xffff;
	vm15 =	veq.f32 v14, v57;
	v28 =	vsub.f32 v13, v34;
	v27 =	vsub.f32 v13, v37  }
0x88: {  	v29 =	vld.idx.msk [tilespmem:v12+s21+$0x49B ss:$0x1], $0xffff;
	v30 =	vsub.f32 v13, v38;
	v15 =	vand.u32 $0x7FFFFFFF, v15;
	v16 =	vand.u32 $0x7FFFFFFF, v16  }
0x89: {  	v39 =	vld.idx.msk [tilespmem:v12+s21+$0x1 ss:$0x1], $0xffff;
	v19 =	vand.u32 $0x7FFFFFFF, v19;
	v21 =	vand.u32 $0x7FFFFFFF, v21;
	v18 =	vand.u32 $0x7FFFFFFF, v18  }
0x8a: {  	v40 =	vld.idx.msk [tilespmem:v12+s21+$0x2 ss:$0x1], $0xffff;
	v23 =	vand.u32 $0x7FFFFFFF, v23;
	v22 =	vand.u32 $0x7FFFFFFF, v22;
	v28 =	vand.u32 $0x7FFFFFFF, v28  }
0x8b: {  	p1 =	sgt.s32 s18, $0x17C;
	v32 =	vld.idx.msk [tilespmem:v11+s21+$0x3 ss:$0x1], $0xffff;
	v41 =	vand.u32 $0x7FFFFFFF, v27;
	v42 =	vand.u32 $0x7FFFFFFF, v30;
	v15 =	vnsel vm13, $0x0, v15  }
0x8c: {  	s22 =	smov.u32 s18;
	p0 =	sgt.s32 s19, $0x0;
	v34 =	vld.idx.msk [tilespmem:v12+s21+$0x3 ss:$0x1], $0xffff;
	s21 =	smov.u32 s19;
	v16 =	vnsel vm15, $0x0, v16;
	vm13 =	veq.f32 v14, v20;
	v21 =	vnsel vm11, $0x0, v21  }
0x8d: {  	s22 =	simm.s32 @!p1 $0x17C;
	s21 =	simm.s32 @!p0 $0x0;
	v56 =	vmin.f32 v15, $6.396875000e+01;
	vm0 =	vgt.f32 v15, $0.0e+00;
	v60 =	vmin.f32 v16, $6.396875000e+01  }
0x8e: {  	s21 =	sadd.s32 s21, s22;
	vm12 =	vgt.f32 v16, $0.0e+00;
	v19 =	vnsel vm13, $0x0, v19;
	vm11 =	vgt.f32 v21, $0.0e+00  }
0x8f: {  	s21 =	ssub.s32 $0x183, s21;
	v15 =	vadd.f32 v15, v15;
	v43 =	vmin.f32 v21, $6.396875000e+01;
	v16 =	vadd.f32 v16, v16  }
0x90: {  	v21 =	vadd.f32 v21, v21;
	v62 =	vmul.u32 s21, v10;
	v17 =	vmul.f32 $3.200000000e+01, v56  }
0x91: {  	vm0 =	vmand vm3, vm0;
	v61 =	vmul.f32 $3.200000000e+01, v60;
	vm15 =	vgt.f32 v19, $0.0e+00  }
0x92: {  	v63 =	vmin.f32 v19, $6.396875000e+01;
	v19 =	vadd.f32 v19, v19;
	v57 =	vsub.f32 v13, v32  }
0x93: {  	v13 =	vand.u32 $0x7FFFFFFF, v13;
	vm9 =	vmand vm8, vm0;
	vm0 =	vmand vm2, vm12  }
0x94: {  	v26 =	vmul.f32 $3.200000000e+01, v63;
	v17 =	vtrunc.f32 v17;
	vm8 =	vmand vm8, vm0  }
0x95: {  	vm0 =	vmand vm1, vm15;
	vm1 =	veq.f32 v14, v24;
	v24 =	vand.u32 $0x7FFFFFFF, v36  }
0x96: {  	v20 =	vtrunc.f32 v61;
	v17 =	vcvt.f32.s32 v17;
	v18 =	vnsel vm1, $0x0, v18  }
0x97: {  	vm15 =	vmand vm10, vm0;
	vm0 =	vmand vm7, vm11;
	vm1 =	veq.f32 v14, v33  }
0x98: {  	v20 =	vcvt.f32.s32 v20;
	v26 =	vtrunc.f32 v26;
	vm12 =	vgt.f32 v18, $0.0e+00  }
0x99: {  	vm0 =	vmand vm10, vm0;
	v22 =	vnsel vm1, $0x0, v22;
	v26 =	vcvt.f32.s32 v26  }
0x9a: {  	v44 =	vmin.f32 v18, $6.396875000e+01;
	v18 =	vadd.f32 v18, v18;
	vm11 =	vmand vm6, vm12  }
0x9b: {  	vm12 =	veq.f32 v14, v25;
	vm1 =	vgt.f32 v22, $0.0e+00;
	vm6 =	vmmov vm4  }
0x9c: {  	vm4 =	veq.f32 v14, v29;
	v29 =	vmul.f32 $3.200000000e+01, v43;
	v30 =	vmul.f32 $3.200000000e+01, v44  }
0x9d: {  	v46 =	vmin.f32 v22, $6.396875000e+01;
	v53 =	vadd.f32 v22, v22;
	vm13 =	vmand vm10, vm11  }
0x9e: {  	v23 =	vnsel vm12, $0x0, v23;
	v28 =	vnsel vm4, $0x0, v28;
	v33 =	vmul.f32 $3.200000000e+01, v46  }
0x9f: {  	vm11 =	vgt.f32 v23, $0.0e+00;
	v29 =	vtrunc.f32 v29;
	v45 =	vmin.f32 v23, $6.396875000e+01  }
0xa0: {  	v30 =	vtrunc.f32 v30;
	v52 =	vmin.f32 v28, $6.396875000e+01;
	v23 =	vadd.f32 v23, v23  }
0xa1: {  	vm11 =	vmand vm5, vm11;
	vm5 =	vgt.f32 v28, $0.0e+00;
	v29 =	vcvt.f32.s32 v29  }
0xa2: {  	v31 =	vmul.f32 $3.200000000e+01, v45;
	v49 =	vtrunc.f32 v33;
	vm12 =	vmand vm10, vm11  }
0xa3: {  	vm11 =	vmand vm14, vm1;
	vm1 =	vmmov vm14;
	vm14 =	veq.f32 v14, v35  }
0xa4: {  	v28 =	vadd.f32 v28, v28;
	[tilespmem:v17+s12+$0x0] =	vst.idx.add.f32.msk vm9, v9;
	v51 =	vcvt.f32.s32 v49;
	v24 =	vnsel vm14, $0x0, v24  }
0xa5: {  	vm14 =	vmand vm10, vm11;
	[tilespmem:v17+s13+$0x0] =	vst.idx.add.f32.msk vm9, v15;
	v15 =	vcvt.f32.s32 v30;
	v47 =	vtrunc.f32 v31  }
0xa6: {  	vm9 =	veq.f32 v14, v34;
	vm11 =	vgt.f32 v24, $0.0e+00;
	v48 =	vmin.f32 v24, $6.396875000e+01;
	[tilespmem:v20+s12+$0x0] =	vst.idx.add.f32.msk vm8, v9  }
0xa7: {  	v50 =	vcvt.f32.s32 v47;
	vm4 =	vmand vm3, vm11;
	v30 =	vmul.f32 $3.200000000e+01, v48;
	[tilespmem:v20+s13+$0x0] =	vst.idx.add.f32.msk vm8, v16  }
0xa8: {  	v20 =	vmul.f32 $3.200000000e+01, v52;
	vm11 =	vmand vm10, vm4;
	vm4 =	vmand vm2, vm5;
	[tilespmem:v26+s12+$0x0] =	vst.idx.add.f32.msk vm15, v9  }
0xa9: {  	v17 =	vadd.s32 $0x31, v62;
	v24 =	vadd.f32 v24, v24;
	vm10 =	vmand vm10, vm4;
	[tilespmem:v26+s13+$0x0] =	vst.idx.add.f32.msk vm15, v19  }
0xaa: {  	vm4 =	veq.f32 v14, v39;
	v30 =	vtrunc.f32 v30;
	v20 =	vtrunc.f32 v20;
	[tilespmem:v29+s12+$0x0] =	vst.idx.add.f32.msk vm0, v9  }
0xab: {  	v25 =	vnsel vm4, $0x0, v41;
	vm4 =	veq.f32 v14, v40;
	v54 =	vcvt.f32.s32 v30;
	[tilespmem:v29+s13+$0x0] =	vst.idx.add.f32.msk vm0, v21  }
0xac: {  	v20 =	vcvt.f32.s32 v20;
	v27 =	vnsel vm4, $0x0, v42;
	v55 =	vmin.f32 v25, $6.396875000e+01;
	[tilespmem:v15+s12+$0x0] =	vst.idx.add.f32.msk vm13, v9  }
0xad: {  	vm4 =	veq.f32 v14, $0.0e+00;
	v26 =	vmul.f32 $3.200000000e+01, v55;
	v56 =	vmin.f32 v27, $6.396875000e+01;
	[tilespmem:v15+s13+$0x0] =	vst.idx.add.f32.msk vm13, v18  }
0xae: {  	vm5 =	vgt.f32 v27, $0.0e+00;
	v21 =	vmul.f32 $3.200000000e+01, v56;
	v15 =	vand.u32 $0x7FFFFFFF, v57;
	[tilespmem:v50+s12+$0x0] =	vst.idx.add.f32.msk vm12, v9  }
0xaf: {  	vm13 =	vgt.f32 v25, $0.0e+00;
	v26 =	vtrunc.f32 v26;
	v15 =	vnsel vm9, $0x0, v15;
	[tilespmem:v50+s13+$0x0] =	vst.idx.add.f32.msk vm12, v23  }
0xb0: {  	vm0 =	vmand vm1, vm13;
	v26 =	vcvt.f32.s32 v26;
	v60 =	vmin.f32 v15, $6.396875000e+01;
	[tilespmem:v51+s12+$0x0] =	vst.idx.add.f32.msk vm14, v9  }
0xb1: {  	v13 =	vnsel vm4, $0x0, v13;
	v58 =	vtrunc.f32 v21;
	v14 =	vmul.f32 $3.200000000e+01, v60;
	[tilespmem:v51+s13+$0x0] =	vst.idx.add.f32.msk vm14, v53  }
0xb2: {  	vm4 =	vmand vm3, vm5;
	v61 =	vmin.f32 v13, $6.396875000e+01;
	v18 =	vcvt.f32.s32 v58;
	[tilespmem:v54+s12+$0x0] =	vst.idx.add.f32.msk vm11, v9  }
0xb3: {  	v16 =	vmul.f32 $3.200000000e+01, v61;
	vm5 =	vgt.f32 v15, $0.0e+00;
	v14 =	vtrunc.f32 v14;
	[tilespmem:v54+s13+$0x0] =	vst.idx.add.f32.msk vm11, v24  }
0xb4: {  	vm15 =	vgt.s32 v17, $0x0;
	vm5 =	vmand vm2, vm5;
	v14 =	vcvt.f32.s32 v14;
	[tilespmem:v20+s12+$0x0] =	vst.idx.add.f32.msk vm10, v9  }
0xb5: {  	v59 =	vadd.f32 v25, v25;
	v16 =	vtrunc.f32 v16;
	vm14 =	vgt.f32 v13, $0.0e+00;
	[tilespmem:v20+s13+$0x0] =	vst.idx.add.f32.msk vm10, v28  }
0xb6: {  	v16 =	vcvt.f32.s32 v16;
	vm8 =	vmand vm15, vm14;
	[tilespmem:v26+s12+$0x0] =	vst.idx.add.f32.msk vm0, v9  }
0xb7: {  	v63 =	vadd.f32 v27, v27;
	[tilespmem:v26+s13+$0x0] =	vst.idx.add.f32.msk vm0, v59  }
0xb8: {  	p0 =	sne.s32 s20, $0x11FE0;
	[tilespmem:v18+s12+$0x0] =	vst.idx.add.f32.msk vm4, v9  }
.Ltmp1:
0xb9: {  	v17 =	vcvt.s32.f32 v17;
	v15 =	vadd.f32 v15, v15;
	[tilespmem:v18+s13+$0x0] =	vst.idx.add.f32.msk vm4, v63;
	(pc) =	sbr.rel @p0 .LBB2_5-.Ltmp1, $4  }
0xba: {  	[tilespmem:v14+s12+$0x0] =	vst.idx.add.f32.msk vm5, v9  }
0xbb: {  	v13 =	vmul.f32 v17, v13;
	[tilespmem:v14+s13+$0x0] =	vst.idx.add.f32.msk vm5, v15  }
0xbc: {  	[tilespmem:v16+s12+$0x0] =	vst.idx.add.f32.msk vm8, v17  }
0xbd: {  	s18 =	sadd.s32 $0x1, s18;
	s19 =	sadd.s32 $0xFFFFFFFF, s19;
	s20 =	sadd.s32 $0x620, s20;
	vm4 =	vmmov vm6;
	[tilespmem:v16+s13+$0x0] =	vst.idx.add.f32.msk vm8, v13  }
0xbe: {  	s15 =	sadd.s32 $0x1, s15  }
0xbf: {  	p0 =	sne.s32 s15, $0x18  }
.Ltmp2:
0xc0: {  	_ = 	snop;
	(pc) =	sbr.rel @p0 .LBB2_4-.Ltmp2, $2  }
0xc1: {  	_ =	sdelay $0x2  }
0xc2: {  	s16 =	sadd.s32 $0x10, s16;
	s17 =	sadd.s32 $0x10, s17  }
0xc3: {  	[hbm4b:s6+s2] =	stream.linear.scatter [tilespmem:s12], [sflag:$0x1], $0x800, $0x38;
	[tilespmem:$0xB560] =	vst v63  }
0xc4: {  	s14 =	sadd.s32 $0x1, s14;
	_ =	swait.ge [sflag:s10], $0x800  }
0xc5: {  	p0 =	sne.s32 s14, s8;
	[sflag:s10] =	ssyncset.done $0x0  }
.Ltmp3:
0xc6: {  	[sflag:s10] =	ssyncadd.s32 $0xFFFFF800;
	(pc) =	sbr.rel @p0 .LBB2_1-.Ltmp3, $4  }
0xc7: {  	[hbm4b:s7+s2] =	stream.linear.scatter [tilespmem:s13], [sflag:$0x1], $0x800, $0x38;
	[tilespmem:$0xB560] =	vst v63  }
0xc8: {  	_ =	swait.ge [sflag:s10], $0x800  }
0xc9: {  	[sflag:s10] =	ssyncset.done $0x0  }
0xca: {  	[sflag:s10] =	ssyncadd.s32 $0xFFFFF800  }
0xcb: {  	_ =	sfence.sel $0x180000  }
0xcc: {  	[bflag:$0x0] =	sbarrier.arrive $0xFFFF  }
0xcd: {  	p0 =	sne.s32 s0, $0x0;
	_ =	strace $0x90000047  }
0xce: {  	s0 =	sadd.s32 @!p0 $0x100000, s1;
	[bflag:$0x2] =	sbarrier.arrive $0xFFFF  }
0xcf: {  	[sflag:s0] =	ssyncadd.tile.s32 @!p0 $0x1;
	_ =	shalt  }
.Lfunc_end2:
_tile_overlayer_lowered:
.L_overlay_start_2:
0xd0: {  	(tag) =	ssettag $0x2  }
0xd1: {  	s0 =	rddreg [dreg:$0x0];
	s2 =	stileid.u32  }
0xd2: {  	s1 =	rddreg [dreg:$0x1];
	p0 =	sne.s32 s2, $0x0  }
0xd3: {  	s3 =	rddreg [dreg:$0x2];
	[bflag:$0x3] =	sbarrier.arrive $0xFFFF;
	s2 =	simm.s32 @!p0 $0x1C01  }
0xd4: {  	[timem:s3], [sflag:s2] =	dma.local @!p0 [hbm:s0], s1  }
0xd5: {  	s0 =	simm.s32 @!p0 $0x1  }
0xd6: {  	_ =	swait.ge @!p0 [sflag:s0], s1  }
0xd7: {  	s1 =	ssub.s32 @!p0 $0x0, s1;
	[sflag:s0] =	ssyncset.done @!p0 $0x0  }
0xd8: {  	[sflag:s0] =	ssyncadd.s32 @!p0 s1  }
0xd9: {  	[bflag:$0x3] =	sbarrier.arrive $0xFFFF  }
0xda: {  	_ =	shalt  }

</sc_bundles>
